<compile_context>
chip_gen: v7x
topology: tpu7x:2x2x1
jax: 0.10.2.dev20260603
libtpu: 0.0.44.dev20260713+nightly
codegen_flags: <defaults>
</compile_context>

<pallas_src>
import functools

import jax
import jax.numpy as jnp
from jax import lax
from jax.experimental import pallas as pl
from jax.experimental.pallas import tpu as pltpu
from jax.experimental.pallas import tpu_sc as plsc

B, T = 4, 8192
NT = B * T
D = 256
CHUNK = 8
CAT = CHUNK * D
ROWS = NT // CHUNK
OUT_D = 1024

NC, NS = 2, 16
NW = NC * NS
TPW = NT // NW
C = 16
NCHUNK = TPW // C
NBUF = 2

_LANES = 16


def _sc_embed_body(vt, dt, p0t, p1t, p2t,
                   vi, di, p0i, p1i, p2i, out_hbm, *sc):
    vib = (sc[0], sc[1])
    p2b = (sc[2], sc[3])
    dib = (sc[4], sc[5])
    p0b = (sc[6], sc[7])
    p1b = (sc[8], sc[9])
    rv = (sc[10], sc[11])
    rp2 = (sc[12], sc[13])
    dtv, p0v, p1v = sc[14:17]
    semi = (sc[17], sc[18])
    semg = (sc[19], sc[20])
    semo = (sc[21], sc[22])

    wid = lax.axis_index("s") * NC + lax.axis_index("c")
    base = wid * TPW

    pltpu.sync_copy(dt, dtv)
    pltpu.sync_copy(p0t, p0v)
    pltpu.sync_copy(p1t, p1v)

    def fire_idx(ci, p):
        off = base + ci * C
        pltpu.async_copy(vi.at[pl.ds(off, C)], vib[p], semi[p])
        pltpu.async_copy(p2i.at[pl.ds(off, C)], p2b[p], semi[p])
        pltpu.async_copy(di.at[pl.ds(off, C)], dib[p], semi[p])
        pltpu.async_copy(p0i.at[pl.ds(off, C)], p0b[p], semi[p])
        pltpu.async_copy(p1i.at[pl.ds(off, C)], p1b[p], semi[p])

    def wait_idx(ci, p):
        off = base + ci * C
        pltpu.make_async_copy(vi.at[pl.ds(off, C)], vib[p], semi[p]).wait()
        pltpu.make_async_copy(p2i.at[pl.ds(off, C)], p2b[p], semi[p]).wait()
        pltpu.make_async_copy(di.at[pl.ds(off, C)], dib[p], semi[p]).wait()
        pltpu.make_async_copy(p0i.at[pl.ds(off, C)], p0b[p], semi[p]).wait()
        pltpu.make_async_copy(p1i.at[pl.ds(off, C)], p1b[p], semi[p]).wait()

    colc = [jnp.full((_LANES,), j * _LANES, jnp.int32)
            for j in range(D // _LANES)]

    def fire_gathers(p):
        pltpu.async_copy(vt.at[vib[p]], rv[p], semg[p])
        pltpu.async_copy(p2t.at[p2b[p]], rp2[p], semg[p])

    def drain_gathers(p):
        pltpu.make_async_copy(vt.at[vib[p]], rv[p], semg[p]).wait()
        pltpu.make_async_copy(p2t.at[p2b[p]], rp2[p], semg[p]).wait()

    def wait_out(p):
        pltpu.make_async_copy(rv[p], out_hbm.at[pl.ds(base, C)],
                              semo[p]).wait()

    def sum_and_out(ci, p):
        r = rv[p]
        r2 = rp2[p]
        idxd, idxp0, idxp1 = dib[p], p0b[p], p1b[p]

        def sum_body(i, carry):
            dvec = idxd[i, :]
            p0vec = idxp0[i, :]
            p1vec = idxp1[i, :]
            for j in range(D // _LANES):
                s = pl.ds(j * _LANES, _LANES)
                acc = r[i, s] + r2[i, s]
                acc = acc + plsc.load_gather(dtv, [dvec + colc[j]])
                acc = acc + plsc.load_gather(p0v, [p0vec + colc[j]])
                acc = acc + plsc.load_gather(p1v, [p1vec + colc[j]])
                r[i, s] = acc
            return carry

        lax.fori_loop(0, C, sum_body, 0, unroll=False)
        off = base + ci * C
        pltpu.async_copy(r, out_hbm.at[pl.ds(off, C)], semo[p])

    fire_idx(0, 0)
    wait_idx(0, 0)
    fire_gathers(0)
    fire_idx(1, 1)

    @pl.loop(0, NCHUNK, step=NBUF)
    def _outer(g):
        for b in range(NBUF):
            ci = g + b
            nci = ci + 1
            drain_gathers(b)

            @pl.when(nci < NCHUNK)
            def _():
                wait_idx(nci, 1 - b)

                @pl.when(nci >= NBUF)
                def _():
                    wait_out(1 - b)
                fire_gathers(1 - b)

            sum_and_out(ci, b)

            @pl.when(ci + 2 < NCHUNK)
            def _():
                fire_idx(ci + 2, b)

    wait_out(0)
    wait_out(1)


@functools.partial(
    pl.kernel,
    out_type=jax.ShapeDtypeStruct((NT, D), jnp.float32),
    mesh=plsc.VectorSubcoreMesh(core_axis_name="c", subcore_axis_name="s",
                                num_cores=NC, num_subcores=NS),
    compiler_params=pltpu.CompilerParams(needs_layout_passes=False),
    scratch_types=(
        [pltpu.VMEM((C,), jnp.int32)] * 4
        + [pltpu.VMEM((C, _LANES), jnp.int32)] * 6
        + [pltpu.VMEM((C, D), jnp.float32)] * 4
        + [pltpu.VMEM((7 * D,), jnp.float32)]
        + [pltpu.VMEM((128 * D,), jnp.float32)] * 2
        + [pltpu.SemaphoreType.DMA] * (3 * NBUF)
    ),
)
def _sc_embed(*refs):
    _sc_embed_body(*refs)


def _tc_mlp_body(x_ref, g_ref, bt_ref, w_ref, b_ref, o_ref):
    x = x_ref[...]
    mu = jnp.mean(x, axis=-1, keepdims=True)
    xc = x - mu
    var = jnp.mean(xc * xc, axis=-1, keepdims=True)
    xn = xc * lax.rsqrt(var + 1e-5)
    xn = xn * g_ref[...] + bt_ref[...]
    y = jnp.dot(xn, w_ref[...], preferred_element_type=jnp.float32) + b_ref[...]
    o_ref[...] = 0.5 * y * (1.0 + lax.erf(y * 0.7071067811865476))


def _tc_mlp(x, g, bt, w, b):
    bm = 512
    return pl.pallas_call(
        _tc_mlp_body,
        grid=(ROWS // bm,),
        in_specs=[
            pl.BlockSpec((bm, CAT), lambda i: (i, 0)),
            pl.BlockSpec((1, CAT), lambda i: (0, 0)),
            pl.BlockSpec((1, CAT), lambda i: (0, 0)),
            pl.BlockSpec((CAT, OUT_D), lambda i: (0, 0)),
            pl.BlockSpec((1, OUT_D), lambda i: (0, 0)),
        ],
        out_specs=pl.BlockSpec((bm, OUT_D), lambda i: (i, 0)),
        out_shape=jax.ShapeDtypeStruct((ROWS, OUT_D), jnp.float32),
    )(x, g, bt, w, b)


def kernel(value, depth, position, value_table, depth_table,
           pos_table0, pos_table1, pos_table2, ln_gamma, ln_beta, W, b):
    vi = value.reshape(-1).astype(jnp.int32)
    di = depth.reshape(-1).astype(jnp.int32)
    pos = position.astype(jnp.int32)
    p0i = pos[:, :, 0].reshape(-1)
    p1i = pos[:, :, 1].reshape(-1)
    p2i = pos[:, :, 2].reshape(-1)

    lane = jnp.arange(_LANES, dtype=jnp.int32)
    x = _sc_embed(value_table, depth_table.reshape(-1),
                  pos_table0.reshape(-1), pos_table1.reshape(-1),
                  pos_table2, vi,
                  (di * D)[:, None] + lane, (p0i * D)[:, None] + lane,
                  (p1i * D)[:, None] + lane, p2i)
    x = x.reshape(ROWS, CAT)
    out = _tc_mlp(x, ln_gamma.reshape(1, CAT), ln_beta.reshape(1, CAT),
                  W, b.reshape(1, OUT_D))
    return out.reshape(B, ROWS // B, OUT_D)

# --- scband reference (transcript-rebuilt; emitter-appended) ---
"""Pipeline reference for scband-concat-embedding-b-43061342110042 (READ-ONLY COPY).

The authoritative reference and input builder live on the scoring server;
editing this copy changes nothing except your own understanding.
"""

import jax, jax.numpy as jnp
import numpy as np

B, T = 4, 8192
NUM_VOCAB = 8192
EMBED_DIM = 1024
RESOLUTION = 64
SPATIAL_DIM = 3
CHUNK = 2 ** SPATIAL_DIM  # 8
E_DIM = EMBED_DIM // CHUNK * 2  # 256
TREE_DEPTH = 6  # int(log2(64))


def setup_inputs(seed: int = 0) -> dict:
    key = jax.random.key(seed)
    ks = jax.random.split(key, 12)
    value = jax.random.randint(ks[0], (B, T), 0, NUM_VOCAB).astype(jnp.int64)
    depth = jax.random.randint(ks[1], (B, T), 0, TREE_DEPTH + 1).astype(jnp.int64)
    position = jax.random.randint(ks[2], (B, T, SPATIAL_DIM), 0, 2 * RESOLUTION).astype(jnp.int64)
    # nn.Embedding default init N(0,1); padding_idx=0 row zeroed
    value_table = jax.random.normal(ks[3], (NUM_VOCAB + 1, E_DIM), dtype=jnp.float32).at[0].set(0.0)
    depth_table = jax.random.normal(ks[4], (TREE_DEPTH + 1, E_DIM), dtype=jnp.float32).at[0].set(0.0)
    pos_table0 = jax.random.normal(ks[5], (2 * RESOLUTION, E_DIM), dtype=jnp.float32).at[0].set(0.0)
    pos_table1 = jax.random.normal(ks[6], (2 * RESOLUTION, E_DIM), dtype=jnp.float32).at[0].set(0.0)
    pos_table2 = jax.random.normal(ks[7], (2 * RESOLUTION, E_DIM), dtype=jnp.float32).at[0].set(0.0)
    ln_gamma = jnp.ones((CHUNK * E_DIM,), dtype=jnp.float32)
    ln_beta = jnp.zeros((CHUNK * E_DIM,), dtype=jnp.float32)
    bound = 1.0 / np.sqrt(CHUNK * E_DIM)
    W = jax.random.uniform(ks[8], (CHUNK * E_DIM, EMBED_DIM), dtype=jnp.float32, minval=-bound, maxval=bound)
    b = jax.random.uniform(ks[9], (EMBED_DIM,), dtype=jnp.float32, minval=-bound, maxval=bound)
    return {"value": value, "depth": depth, "position": position,
            "value_table": value_table, "depth_table": depth_table,
            "pos_table0": pos_table0, "pos_table1": pos_table1, "pos_table2": pos_table2,
            "ln_gamma": ln_gamma, "ln_beta": ln_beta, "W": W, "b": b}


def reference(value, depth, position, value_table, depth_table,
              pos_table0, pos_table1, pos_table2, ln_gamma, ln_beta, W, b):
    # _embed_sequences
    x = jnp.take(value_table, value, axis=0)
    x = x + jnp.take(depth_table, depth, axis=0)
    x = x + jnp.take(pos_table0, position[:, :, 0], axis=0)
    x = x + jnp.take(pos_table1, position[:, :, 1], axis=0)
    x = x + jnp.take(pos_table2, position[:, :, 2], axis=0)
    # _split_and_cat: concat CHUNK tokens along embedding dim
    bsz, ntok, edim = x.shape
    x = x.reshape(bsz, ntok // CHUNK, CHUNK * edim)
    # LayerNorm(CHUNK * e_dim), eps=1e-5, biased variance
    mu = jnp.mean(x, axis=-1, keepdims=True)
    var = jnp.var(x, axis=-1, keepdims=True)
    x = (x - mu) / jnp.sqrt(var + 1e-5) * ln_gamma + ln_beta
    # Linear + exact GELU
    x = x @ W + b
    x = jax.nn.gelu(x, approximate=False)
    return x

if __name__ == "__main__":
    import jax
    _d = setup_inputs()
    print(jax.jit(kernel)(*tuple(_d.values())))

</pallas_src>

<mosaic_0001>
#map = affine_map<(d0, d1) -> (0, 0)>
#map1 = affine_map<(d0, d1) -> (0)>
module attributes {stable_mosaic.version = 14 : i64} {
  func.func @_sc_embed(%arg0: i32, %arg1: i32, %arg2: memref<8193x256xf32, #tpu.memory_space<hbm>>, %arg3: memref<1792xf32, #tpu.memory_space<hbm>>, %arg4: memref<32768xf32, #tpu.memory_space<hbm>>, %arg5: memref<32768xf32, #tpu.memory_space<hbm>>, %arg6: memref<128x256xf32, #tpu.memory_space<hbm>>, %arg7: memref<32768xi32, #tpu.memory_space<hbm>>, %arg8: memref<32768x16xi32, #tpu.memory_space<hbm>>, %arg9: memref<32768x16xi32, #tpu.memory_space<hbm>>, %arg10: memref<32768x16xi32, #tpu.memory_space<hbm>>, %arg11: memref<32768xi32, #tpu.memory_space<hbm>>, %arg12: memref<32768x256xf32, #tpu.memory_space<hbm>>, %arg13: memref<16xi32, #tpu.memory_space<vmem>>, %arg14: memref<16xi32, #tpu.memory_space<vmem>>, %arg15: memref<16xi32, #tpu.memory_space<vmem>>, %arg16: memref<16xi32, #tpu.memory_space<vmem>>, %arg17: memref<16x16xi32, #tpu.memory_space<vmem>>, %arg18: memref<16x16xi32, #tpu.memory_space<vmem>>, %arg19: memref<16x16xi32, #tpu.memory_space<vmem>>, %arg20: memref<16x16xi32, #tpu.memory_space<vmem>>, %arg21: memref<16x16xi32, #tpu.memory_space<vmem>>, %arg22: memref<16x16xi32, #tpu.memory_space<vmem>>, %arg23: memref<16x256xf32, #tpu.memory_space<vmem>>, %arg24: memref<16x256xf32, #tpu.memory_space<vmem>>, %arg25: memref<16x256xf32, #tpu.memory_space<vmem>>, %arg26: memref<16x256xf32, #tpu.memory_space<vmem>>, %arg27: memref<1792xf32, #tpu.memory_space<vmem>>, %arg28: memref<32768xf32, #tpu.memory_space<vmem>>, %arg29: memref<32768xf32, #tpu.memory_space<vmem>>, %arg30: memref<!tpu.dma_semaphore, #tpu.memory_space<semaphore_mem>>, %arg31: memref<!tpu.dma_semaphore, #tpu.memory_space<semaphore_mem>>, %arg32: memref<!tpu.dma_semaphore, #tpu.memory_space<semaphore_mem>>, %arg33: memref<!tpu.dma_semaphore, #tpu.memory_space<semaphore_mem>>, %arg34: memref<!tpu.dma_semaphore, #tpu.memory_space<semaphore_mem>>, %arg35: memref<!tpu.dma_semaphore, #tpu.memory_space<semaphore_mem>>) attributes {dimension_semantics = [#tpu.dimension_semantics<core_parallel>, #tpu.dimension_semantics<subcore_parallel>], iteration_bounds = array<i64: 2, 16>, scalar_prefetch = 0 : i64, scratch_operands = 23 : i64, tpu.core_type = #tpu.core_type<sc_vector_subcore>, window_params = [{transform_indices = #map}, {transform_indices = #map1}, {transform_indices = #map1}, {transform_indices = #map1}, {transform_indices = #map}, {transform_indices = #map1}, {transform_indices = #map}, {transform_indices = #map}, {transform_indices = #map}, {transform_indices = #map1}, {transform_indices = #map}]} {
    %mul3A = arith.constant 2 : i32
    %mul3A_0 = arith.muli %arg1, %mul3A : i32
    %add3A = arith.addi %mul3A_0, %arg0 : i32
    %mul3A_1 = arith.constant 1024 : i32
    %mul3A_2 = arith.muli %add3A, %mul3A_1 : i32
    "tpu.region"() ({
      %run_scoped3A = tpu.sem_alloc : memref<!tpu.dma_semaphore, #tpu.memory_space<semaphore_mem>>
      tpu.enqueue_dma source(%arg3 : memref<1792xf32, #tpu.memory_space<hbm>>) target(%arg27 : memref<1792xf32, #tpu.memory_space<vmem>>) target_semaphore(%run_scoped3A : memref<!tpu.dma_semaphore, #tpu.memory_space<semaphore_mem>>)
      tpu.wait_dma2 semaphore(%run_scoped3A : memref<!tpu.dma_semaphore, #tpu.memory_space<semaphore_mem>>) src(%arg3 : memref<1792xf32, #tpu.memory_space<hbm>>) dst(%arg27 : memref<1792xf32, #tpu.memory_space<vmem>>)
      tpu.yield
    }) : () -> ()
    "tpu.region"() ({
      %run_scoped3A = tpu.sem_alloc : memref<!tpu.dma_semaphore, #tpu.memory_space<semaphore_mem>>
      tpu.enqueue_dma source(%arg4 : memref<32768xf32, #tpu.memory_space<hbm>>) target(%arg28 : memref<32768xf32, #tpu.memory_space<vmem>>) target_semaphore(%run_scoped3A : memref<!tpu.dma_semaphore, #tpu.memory_space<semaphore_mem>>)
      tpu.wait_dma2 semaphore(%run_scoped3A : memref<!tpu.dma_semaphore, #tpu.memory_space<semaphore_mem>>) src(%arg4 : memref<32768xf32, #tpu.memory_space<hbm>>) dst(%arg28 : memref<32768xf32, #tpu.memory_space<vmem>>)
      tpu.yield
    }) : () -> ()
    "tpu.region"() ({
      %run_scoped3A = tpu.sem_alloc : memref<!tpu.dma_semaphore, #tpu.memory_space<semaphore_mem>>
      tpu.enqueue_dma source(%arg5 : memref<32768xf32, #tpu.memory_space<hbm>>) target(%arg29 : memref<32768xf32, #tpu.memory_space<vmem>>) target_semaphore(%run_scoped3A : memref<!tpu.dma_semaphore, #tpu.memory_space<semaphore_mem>>)
      tpu.wait_dma2 semaphore(%run_scoped3A : memref<!tpu.dma_semaphore, #tpu.memory_space<semaphore_mem>>) src(%arg5 : memref<32768xf32, #tpu.memory_space<hbm>>) dst(%arg29 : memref<32768xf32, #tpu.memory_space<vmem>>)
      tpu.yield
    }) : () -> ()
    %broadcast_in_dim3A = arith.constant 0 : i32
    %broadcast_in_dim3A_3 = vector.broadcast %broadcast_in_dim3A : i32 to vector<16xi32>
    %broadcast_in_dim3A_4 = arith.constant 16 : i32
    %broadcast_in_dim3A_5 = vector.broadcast %broadcast_in_dim3A_4 : i32 to vector<16xi32>
    %broadcast_in_dim3A_6 = arith.constant 32 : i32
    %broadcast_in_dim3A_7 = vector.broadcast %broadcast_in_dim3A_6 : i32 to vector<16xi32>
    %broadcast_in_dim3A_8 = arith.constant 48 : i32
    %broadcast_in_dim3A_9 = vector.broadcast %broadcast_in_dim3A_8 : i32 to vector<16xi32>
    %broadcast_in_dim3A_10 = arith.constant 64 : i32
    %broadcast_in_dim3A_11 = vector.broadcast %broadcast_in_dim3A_10 : i32 to vector<16xi32>
    %broadcast_in_dim3A_12 = arith.constant 80 : i32
    %broadcast_in_dim3A_13 = vector.broadcast %broadcast_in_dim3A_12 : i32 to vector<16xi32>
    %broadcast_in_dim3A_14 = arith.constant 96 : i32
    %broadcast_in_dim3A_15 = vector.broadcast %broadcast_in_dim3A_14 : i32 to vector<16xi32>
    %broadcast_in_dim3A_16 = arith.constant 112 : i32
    %broadcast_in_dim3A_17 = vector.broadcast %broadcast_in_dim3A_16 : i32 to vector<16xi32>
    %broadcast_in_dim3A_18 = arith.constant 128 : i32
    %broadcast_in_dim3A_19 = vector.broadcast %broadcast_in_dim3A_18 : i32 to vector<16xi32>
    %broadcast_in_dim3A_20 = arith.constant 144 : i32
    %broadcast_in_dim3A_21 = vector.broadcast %broadcast_in_dim3A_20 : i32 to vector<16xi32>
    %broadcast_in_dim3A_22 = arith.constant 160 : i32
    %broadcast_in_dim3A_23 = vector.broadcast %broadcast_in_dim3A_22 : i32 to vector<16xi32>
    %broadcast_in_dim3A_24 = arith.constant 176 : i32
    %broadcast_in_dim3A_25 = vector.broadcast %broadcast_in_dim3A_24 : i32 to vector<16xi32>
    %broadcast_in_dim3A_26 = arith.constant 192 : i32
    %broadcast_in_dim3A_27 = vector.broadcast %broadcast_in_dim3A_26 : i32 to vector<16xi32>
    %broadcast_in_dim3A_28 = arith.constant 208 : i32
    %broadcast_in_dim3A_29 = vector.broadcast %broadcast_in_dim3A_28 : i32 to vector<16xi32>
    %broadcast_in_dim3A_30 = arith.constant 224 : i32
    %broadcast_in_dim3A_31 = vector.broadcast %broadcast_in_dim3A_30 : i32 to vector<16xi32>
    %broadcast_in_dim3A_32 = arith.constant 240 : i32
    %broadcast_in_dim3A_33 = vector.broadcast %broadcast_in_dim3A_32 : i32 to vector<16xi32>
    %add3A_34 = arith.constant 0 : i32
    %add3A_35 = arith.addi %mul3A_2, %add3A_34 : i32
    %dma_start3A = tpu.memref_slice %arg7[%add3A_35] : memref<32768xi32, #tpu.memory_space<hbm>> -> memref<16xi32, #tpu.memory_space<hbm>>
    %dma_start3A_36 = tpu.memref_slice %arg7[%add3A_35] : memref<32768xi32, #tpu.memory_space<hbm>> -> memref<16xi32, #tpu.memory_space<hbm>>
    tpu.enqueue_dma source(%dma_start3A_36 : memref<16xi32, #tpu.memory_space<hbm>>) target(%arg13 : memref<16xi32, #tpu.memory_space<vmem>>) target_semaphore(%arg30 : memref<!tpu.dma_semaphore, #tpu.memory_space<semaphore_mem>>)
    %dma_start3A_37 = tpu.memref_slice %arg11[%add3A_35] : memref<32768xi32, #tpu.memory_space<hbm>> -> memref<16xi32, #tpu.memory_space<hbm>>
    %dma_start3A_38 = tpu.memref_slice %arg11[%add3A_35] : memref<32768xi32, #tpu.memory_space<hbm>> -> memref<16xi32, #tpu.memory_space<hbm>>
    tpu.enqueue_dma source(%dma_start3A_38 : memref<16xi32, #tpu.memory_space<hbm>>) target(%arg15 : memref<16xi32, #tpu.memory_space<vmem>>) target_semaphore(%arg30 : memref<!tpu.dma_semaphore, #tpu.memory_space<semaphore_mem>>)
    %dma_start3A_39 = arith.constant 0 : i32
    %dma_start3A_40 = tpu.memref_slice %arg8[%add3A_35, %dma_start3A_39] : memref<32768x16xi32, #tpu.memory_space<hbm>> -> memref<16x16xi32, #tpu.memory_space<hbm>>
    %dma_start3A_41 = arith.constant 0 : i32
    %dma_start3A_42 = tpu.memref_slice %arg8[%add3A_35, %dma_start3A_41] : memref<32768x16xi32, #tpu.memory_space<hbm>> -> memref<16x16xi32, #tpu.memory_space<hbm>>
    tpu.enqueue_dma source(%dma_start3A_42 : memref<16x16xi32, #tpu.memory_space<hbm>>) target(%arg17 : memref<16x16xi32, #tpu.memory_space<vmem>>) target_semaphore(%arg30 : memref<!tpu.dma_semaphore, #tpu.memory_space<semaphore_mem>>)
    %dma_start3A_43 = arith.constant 0 : i32
    %dma_start3A_44 = tpu.memref_slice %arg9[%add3A_35, %dma_start3A_43] : memref<32768x16xi32, #tpu.memory_space<hbm>> -> memref<16x16xi32, #tpu.memory_space<hbm>>
    %dma_start3A_45 = arith.constant 0 : i32
    %dma_start3A_46 = tpu.memref_slice %arg9[%add3A_35, %dma_start3A_45] : memref<32768x16xi32, #tpu.memory_space<hbm>> -> memref<16x16xi32, #tpu.memory_space<hbm>>
    tpu.enqueue_dma source(%dma_start3A_46 : memref<16x16xi32, #tpu.memory_space<hbm>>) target(%arg19 : memref<16x16xi32, #tpu.memory_space<vmem>>) target_semaphore(%arg30 : memref<!tpu.dma_semaphore, #tpu.memory_space<semaphore_mem>>)
    %dma_start3A_47 = arith.constant 0 : i32
    %dma_start3A_48 = tpu.memref_slice %arg10[%add3A_35, %dma_start3A_47] : memref<32768x16xi32, #tpu.memory_space<hbm>> -> memref<16x16xi32, #tpu.memory_space<hbm>>
    %dma_start3A_49 = arith.constant 0 : i32
    %dma_start3A_50 = tpu.memref_slice %arg10[%add3A_35, %dma_start3A_49] : memref<32768x16xi32, #tpu.memory_space<hbm>> -> memref<16x16xi32, #tpu.memory_space<hbm>>
    tpu.enqueue_dma source(%dma_start3A_50 : memref<16x16xi32, #tpu.memory_space<hbm>>) target(%arg21 : memref<16x16xi32, #tpu.memory_space<vmem>>) target_semaphore(%arg30 : memref<!tpu.dma_semaphore, #tpu.memory_space<semaphore_mem>>)
    %add3A_51 = arith.constant 0 : i32
    %add3A_52 = arith.addi %mul3A_2, %add3A_51 : i32
    %dma_wait3A = tpu.memref_slice %arg7[%add3A_52] : memref<32768xi32, #tpu.memory_space<hbm>> -> memref<16xi32, #tpu.memory_space<hbm>>
    %dma_wait3A_53 = tpu.memref_slice %arg7[%add3A_52] : memref<32768xi32, #tpu.memory_space<hbm>> -> memref<16xi32, #tpu.memory_space<hbm>>
    tpu.wait_dma2 semaphore(%arg30 : memref<!tpu.dma_semaphore, #tpu.memory_space<semaphore_mem>>) src(%dma_wait3A_53 : memref<16xi32, #tpu.memory_space<hbm>>) dst(%arg13 : memref<16xi32, #tpu.memory_space<vmem>>)
    %dma_wait3A_54 = tpu.memref_slice %arg11[%add3A_52] : memref<32768xi32, #tpu.memory_space<hbm>> -> memref<16xi32, #tpu.memory_space<hbm>>
    %dma_wait3A_55 = tpu.memref_slice %arg11[%add3A_52] : memref<32768xi32, #tpu.memory_space<hbm>> -> memref<16xi32, #tpu.memory_space<hbm>>
    tpu.wait_dma2 semaphore(%arg30 : memref<!tpu.dma_semaphore, #tpu.memory_space<semaphore_mem>>) src(%dma_wait3A_55 : memref<16xi32, #tpu.memory_space<hbm>>) dst(%arg15 : memref<16xi32, #tpu.memory_space<vmem>>)
    %dma_wait3A_56 = arith.constant 0 : i32
    %dma_wait3A_57 = tpu.memref_slice %arg8[%add3A_52, %dma_wait3A_56] : memref<32768x16xi32, #tpu.memory_space<hbm>> -> memref<16x16xi32, #tpu.memory_space<hbm>>
    %dma_wait3A_58 = arith.constant 0 : i32
    %dma_wait3A_59 = tpu.memref_slice %arg8[%add3A_52, %dma_wait3A_58] : memref<32768x16xi32, #tpu.memory_space<hbm>> -> memref<16x16xi32, #tpu.memory_space<hbm>>
    tpu.wait_dma2 semaphore(%arg30 : memref<!tpu.dma_semaphore, #tpu.memory_space<semaphore_mem>>) src(%dma_wait3A_59 : memref<16x16xi32, #tpu.memory_space<hbm>>) dst(%arg17 : memref<16x16xi32, #tpu.memory_space<vmem>>)
    %dma_wait3A_60 = arith.constant 0 : i32
    %dma_wait3A_61 = tpu.memref_slice %arg9[%add3A_52, %dma_wait3A_60] : memref<32768x16xi32, #tpu.memory_space<hbm>> -> memref<16x16xi32, #tpu.memory_space<hbm>>
    %dma_wait3A_62 = arith.constant 0 : i32
    %dma_wait3A_63 = tpu.memref_slice %arg9[%add3A_52, %dma_wait3A_62] : memref<32768x16xi32, #tpu.memory_space<hbm>> -> memref<16x16xi32, #tpu.memory_space<hbm>>
    tpu.wait_dma2 semaphore(%arg30 : memref<!tpu.dma_semaphore, #tpu.memory_space<semaphore_mem>>) src(%dma_wait3A_63 : memref<16x16xi32, #tpu.memory_space<hbm>>) dst(%arg19 : memref<16x16xi32, #tpu.memory_space<vmem>>)
    %dma_wait3A_64 = arith.constant 0 : i32
    %dma_wait3A_65 = tpu.memref_slice %arg10[%add3A_52, %dma_wait3A_64] : memref<32768x16xi32, #tpu.memory_space<hbm>> -> memref<16x16xi32, #tpu.memory_space<hbm>>
    %dma_wait3A_66 = arith.constant 0 : i32
    %dma_wait3A_67 = tpu.memref_slice %arg10[%add3A_52, %dma_wait3A_66] : memref<32768x16xi32, #tpu.memory_space<hbm>> -> memref<16x16xi32, #tpu.memory_space<hbm>>
    tpu.wait_dma2 semaphore(%arg30 : memref<!tpu.dma_semaphore, #tpu.memory_space<semaphore_mem>>) src(%dma_wait3A_67 : memref<16x16xi32, #tpu.memory_space<hbm>>) dst(%arg21 : memref<16x16xi32, #tpu.memory_space<vmem>>)
    %dma_start3A_68 = arith.constant 0 : i32
    %dma_start3A_69 = arith.constant 0 : i32
    %dma_start3A_70 = tpu.memref_slice %arg2[%dma_start3A_68, %dma_start3A_69] : memref<8193x256xf32, #tpu.memory_space<hbm>> -> memref<8193x256xf32, #tpu.memory_space<hbm>>
    tpu.enqueue_indirect_dma source(%dma_start3A_70 : memref<8193x256xf32, #tpu.memory_space<hbm>>) target(%arg23 : memref<16x256xf32, #tpu.memory_space<vmem>>) offsets(%arg13 : memref<16xi32, #tpu.memory_space<vmem>>) semaphore(%arg32 : memref<!tpu.dma_semaphore, #tpu.memory_space<semaphore_mem>>)
    %dma_start3A_71 = arith.constant 0 : i32
    %dma_start3A_72 = arith.constant 0 : i32
    %dma_start3A_73 = tpu.memref_slice %arg6[%dma_start3A_71, %dma_start3A_72] : memref<128x256xf32, #tpu.memory_space<hbm>> -> memref<128x256xf32, #tpu.memory_space<hbm>>
    tpu.enqueue_indirect_dma source(%dma_start3A_73 : memref<128x256xf32, #tpu.memory_space<hbm>>) target(%arg25 : memref<16x256xf32, #tpu.memory_space<vmem>>) offsets(%arg15 : memref<16xi32, #tpu.memory_space<vmem>>) semaphore(%arg32 : memref<!tpu.dma_semaphore, #tpu.memory_space<semaphore_mem>>)
    %add3A_74 = arith.constant 16 : i32
    %add3A_75 = arith.addi %mul3A_2, %add3A_74 : i32
    %dma_start3A_76 = tpu.memref_slice %arg7[%add3A_75] : memref<32768xi32, #tpu.memory_space<hbm>> -> memref<16xi32, #tpu.memory_space<hbm>>
    %dma_start3A_77 = tpu.memref_slice %arg7[%add3A_75] : memref<32768xi32, #tpu.memory_space<hbm>> -> memref<16xi32, #tpu.memory_space<hbm>>
    tpu.enqueue_dma source(%dma_start3A_77 : memref<16xi32, #tpu.memory_space<hbm>>) target(%arg14 : memref<16xi32, #tpu.memory_space<vmem>>) target_semaphore(%arg31 : memref<!tpu.dma_semaphore, #tpu.memory_space<semaphore_mem>>)
    %dma_start3A_78 = tpu.memref_slice %arg11[%add3A_75] : memref<32768xi32, #tpu.memory_space<hbm>> -> memref<16xi32, #tpu.memory_space<hbm>>
    %dma_start3A_79 = tpu.memref_slice %arg11[%add3A_75] : memref<32768xi32, #tpu.memory_space<hbm>> -> memref<16xi32, #tpu.memory_space<hbm>>
    tpu.enqueue_dma source(%dma_start3A_79 : memref<16xi32, #tpu.memory_space<hbm>>) target(%arg16 : memref<16xi32, #tpu.memory_space<vmem>>) target_semaphore(%arg31 : memref<!tpu.dma_semaphore, #tpu.memory_space<semaphore_mem>>)
    %dma_start3A_80 = arith.constant 0 : i32
    %dma_start3A_81 = tpu.memref_slice %arg8[%add3A_75, %dma_start3A_80] : memref<32768x16xi32, #tpu.memory_space<hbm>> -> memref<16x16xi32, #tpu.memory_space<hbm>>
    %dma_start3A_82 = arith.constant 0 : i32
    %dma_start3A_83 = tpu.memref_slice %arg8[%add3A_75, %dma_start3A_82] : memref<32768x16xi32, #tpu.memory_space<hbm>> -> memref<16x16xi32, #tpu.memory_space<hbm>>
    tpu.enqueue_dma source(%dma_start3A_83 : memref<16x16xi32, #tpu.memory_space<hbm>>) target(%arg18 : memref<16x16xi32, #tpu.memory_space<vmem>>) target_semaphore(%arg31 : memref<!tpu.dma_semaphore, #tpu.memory_space<semaphore_mem>>)
    %dma_start3A_84 = arith.constant 0 : i32
    %dma_start3A_85 = tpu.memref_slice %arg9[%add3A_75, %dma_start3A_84] : memref<32768x16xi32, #tpu.memory_space<hbm>> -> memref<16x16xi32, #tpu.memory_space<hbm>>
    %dma_start3A_86 = arith.constant 0 : i32
    %dma_start3A_87 = tpu.memref_slice %arg9[%add3A_75, %dma_start3A_86] : memref<32768x16xi32, #tpu.memory_space<hbm>> -> memref<16x16xi32, #tpu.memory_space<hbm>>
    tpu.enqueue_dma source(%dma_start3A_87 : memref<16x16xi32, #tpu.memory_space<hbm>>) target(%arg20 : memref<16x16xi32, #tpu.memory_space<vmem>>) target_semaphore(%arg31 : memref<!tpu.dma_semaphore, #tpu.memory_space<semaphore_mem>>)
    %dma_start3A_88 = arith.constant 0 : i32
    %dma_start3A_89 = tpu.memref_slice %arg10[%add3A_75, %dma_start3A_88] : memref<32768x16xi32, #tpu.memory_space<hbm>> -> memref<16x16xi32, #tpu.memory_space<hbm>>
    %dma_start3A_90 = arith.constant 0 : i32
    %dma_start3A_91 = tpu.memref_slice %arg10[%add3A_75, %dma_start3A_90] : memref<32768x16xi32, #tpu.memory_space<hbm>> -> memref<16x16xi32, #tpu.memory_space<hbm>>
    tpu.enqueue_dma source(%dma_start3A_91 : memref<16x16xi32, #tpu.memory_space<hbm>>) target(%arg22 : memref<16x16xi32, #tpu.memory_space<vmem>>) target_semaphore(%arg31 : memref<!tpu.dma_semaphore, #tpu.memory_space<semaphore_mem>>)
    %scan3A = arith.constant 0 : i32
    %scan3A_92 = arith.constant 32 : i32
    %scan3A_93 = arith.addi %scan3A, %scan3A_92 : i32
    %scan3A_94 = arith.constant 1 : i32
    scf.for %scan3A_104 = %scan3A to %scan3A_93 step %scan3A_94  : i32 {
      %mul3A_105 = arith.constant 2 : i32
      %mul3A_106 = arith.muli %scan3A_104, %mul3A_105 : i32
      %add3A_107 = arith.constant 0 : i32
      %add3A_108 = arith.addi %add3A_107, %mul3A_106 : i32
      %add3A_109 = arith.constant 0 : i32
      %add3A_110 = arith.addi %add3A_108, %add3A_109 : i32
      %add3A_111 = arith.constant 1 : i32
      %add3A_112 = arith.addi %add3A_110, %add3A_111 : i32
      %dma_wait3A_113 = arith.constant 0 : i32
      %dma_wait3A_114 = arith.constant 0 : i32
      %dma_wait3A_115 = tpu.memref_slice %arg2[%dma_wait3A_113, %dma_wait3A_114] : memref<8193x256xf32, #tpu.memory_space<hbm>> -> memref<8193x256xf32, #tpu.memory_space<hbm>>
      tpu.wait_indirect_dma semaphore(%arg32 : memref<!tpu.dma_semaphore, #tpu.memory_space<semaphore_mem>>) src(%dma_wait3A_115 : memref<8193x256xf32, #tpu.memory_space<hbm>>) dst(%arg23 : memref<16x256xf32, #tpu.memory_space<vmem>>)
      %dma_wait3A_116 = arith.constant 0 : i32
      %dma_wait3A_117 = arith.constant 0 : i32
      %dma_wait3A_118 = tpu.memref_slice %arg6[%dma_wait3A_116, %dma_wait3A_117] : memref<128x256xf32, #tpu.memory_space<hbm>> -> memref<128x256xf32, #tpu.memory_space<hbm>>
      tpu.wait_indirect_dma semaphore(%arg32 : memref<!tpu.dma_semaphore, #tpu.memory_space<semaphore_mem>>) src(%dma_wait3A_118 : memref<128x256xf32, #tpu.memory_space<hbm>>) dst(%arg25 : memref<16x256xf32, #tpu.memory_space<vmem>>)
      %lt3A = arith.constant 64 : i32
      %lt3A_119 = arith.cmpi slt, %add3A_112, %lt3A : i32
      %convert_element_type3A = arith.extui %lt3A_119 : i1 to i32
      %cond3A = arith.constant 0 : i32
      %cond3A_120 = arith.cmpi ne, %convert_element_type3A, %cond3A : i32
      scf.if %cond3A_120 {
        %mul3A_176 = arith.constant 16 : i32
        %mul3A_177 = arith.muli %add3A_112, %mul3A_176 : i32
        %add3A_178 = arith.addi %mul3A_2, %mul3A_177 : i32
        %dma_wait3A_179 = tpu.memref_slice %arg7[%add3A_178] : memref<32768xi32, #tpu.memory_space<hbm>> -> memref<16xi32, #tpu.memory_space<hbm>>
        %dma_wait3A_180 = tpu.memref_slice %arg7[%add3A_178] : memref<32768xi32, #tpu.memory_space<hbm>> -> memref<16xi32, #tpu.memory_space<hbm>>
        tpu.wait_dma2 semaphore(%arg31 : memref<!tpu.dma_semaphore, #tpu.memory_space<semaphore_mem>>) src(%dma_wait3A_180 : memref<16xi32, #tpu.memory_space<hbm>>) dst(%arg14 : memref<16xi32, #tpu.memory_space<vmem>>)
        %dma_wait3A_181 = tpu.memref_slice %arg11[%add3A_178] : memref<32768xi32, #tpu.memory_space<hbm>> -> memref<16xi32, #tpu.memory_space<hbm>>
        %dma_wait3A_182 = tpu.memref_slice %arg11[%add3A_178] : memref<32768xi32, #tpu.memory_space<hbm>> -> memref<16xi32, #tpu.memory_space<hbm>>
        tpu.wait_dma2 semaphore(%arg31 : memref<!tpu.dma_semaphore, #tpu.memory_space<semaphore_mem>>) src(%dma_wait3A_182 : memref<16xi32, #tpu.memory_space<hbm>>) dst(%arg16 : memref<16xi32, #tpu.memory_space<vmem>>)
        %dma_wait3A_183 = arith.constant 0 : i32
        %dma_wait3A_184 = tpu.memref_slice %arg8[%add3A_178, %dma_wait3A_183] : memref<32768x16xi32, #tpu.memory_space<hbm>> -> memref<16x16xi32, #tpu.memory_space<hbm>>
        %dma_wait3A_185 = arith.constant 0 : i32
        %dma_wait3A_186 = tpu.memref_slice %arg8[%add3A_178, %dma_wait3A_185] : memref<32768x16xi32, #tpu.memory_space<hbm>> -> memref<16x16xi32, #tpu.memory_space<hbm>>
        tpu.wait_dma2 semaphore(%arg31 : memref<!tpu.dma_semaphore, #tpu.memory_space<semaphore_mem>>) src(%dma_wait3A_186 : memref<16x16xi32, #tpu.memory_space<hbm>>) dst(%arg18 : memref<16x16xi32, #tpu.memory_space<vmem>>)
        %dma_wait3A_187 = arith.constant 0 : i32
        %dma_wait3A_188 = tpu.memref_slice %arg9[%add3A_178, %dma_wait3A_187] : memref<32768x16xi32, #tpu.memory_space<hbm>> -> memref<16x16xi32, #tpu.memory_space<hbm>>
        %dma_wait3A_189 = arith.constant 0 : i32
        %dma_wait3A_190 = tpu.memref_slice %arg9[%add3A_178, %dma_wait3A_189] : memref<32768x16xi32, #tpu.memory_space<hbm>> -> memref<16x16xi32, #tpu.memory_space<hbm>>
        tpu.wait_dma2 semaphore(%arg31 : memref<!tpu.dma_semaphore, #tpu.memory_space<semaphore_mem>>) src(%dma_wait3A_190 : memref<16x16xi32, #tpu.memory_space<hbm>>) dst(%arg20 : memref<16x16xi32, #tpu.memory_space<vmem>>)
        %dma_wait3A_191 = arith.constant 0 : i32
        %dma_wait3A_192 = tpu.memref_slice %arg10[%add3A_178, %dma_wait3A_191] : memref<32768x16xi32, #tpu.memory_space<hbm>> -> memref<16x16xi32, #tpu.memory_space<hbm>>
        %dma_wait3A_193 = arith.constant 0 : i32
        %dma_wait3A_194 = tpu.memref_slice %arg10[%add3A_178, %dma_wait3A_193] : memref<32768x16xi32, #tpu.memory_space<hbm>> -> memref<16x16xi32, #tpu.memory_space<hbm>>
        tpu.wait_dma2 semaphore(%arg31 : memref<!tpu.dma_semaphore, #tpu.memory_space<semaphore_mem>>) src(%dma_wait3A_194 : memref<16x16xi32, #tpu.memory_space<hbm>>) dst(%arg22 : memref<16x16xi32, #tpu.memory_space<vmem>>)
        %ge3A = arith.constant 2 : i32
        %ge3A_195 = arith.cmpi sge, %add3A_112, %ge3A : i32
        %convert_element_type3A_196 = arith.extui %ge3A_195 : i1 to i32
        %cond3A_197 = arith.constant 0 : i32
        %cond3A_198 = arith.cmpi ne, %convert_element_type3A_196, %cond3A_197 : i32
        scf.if %cond3A_198 {
          %dma_wait3A_205 = arith.constant 0 : i32
          %dma_wait3A_206 = tpu.memref_slice %arg12[%mul3A_2, %dma_wait3A_205] : memref<32768x256xf32, #tpu.memory_space<hbm>> -> memref<16x256xf32, #tpu.memory_space<hbm>>
          %dma_wait3A_207 = arith.constant 0 : i32
          %dma_wait3A_208 = tpu.memref_slice %arg12[%mul3A_2, %dma_wait3A_207] : memref<32768x256xf32, #tpu.memory_space<hbm>> -> memref<16x256xf32, #tpu.memory_space<hbm>>
          tpu.wait_dma2 semaphore(%arg35 : memref<!tpu.dma_semaphore, #tpu.memory_space<semaphore_mem>>) src(%arg24 : memref<16x256xf32, #tpu.memory_space<vmem>>) dst(%dma_wait3A_208 : memref<16x256xf32, #tpu.memory_space<hbm>>)
        } else {
        }
        %dma_start3A_199 = arith.constant 0 : i32
        %dma_start3A_200 = arith.constant 0 : i32
        %dma_start3A_201 = tpu.memref_slice %arg2[%dma_start3A_199, %dma_start3A_200] : memref<8193x256xf32, #tpu.memory_space<hbm>> -> memref<8193x256xf32, #tpu.memory_space<hbm>>
        tpu.enqueue_indirect_dma source(%dma_start3A_201 : memref<8193x256xf32, #tpu.memory_space<hbm>>) target(%arg24 : memref<16x256xf32, #tpu.memory_space<vmem>>) offsets(%arg14 : memref<16xi32, #tpu.memory_space<vmem>>) semaphore(%arg33 : memref<!tpu.dma_semaphore, #tpu.memory_space<semaphore_mem>>)
        %dma_start3A_202 = arith.constant 0 : i32
        %dma_start3A_203 = arith.constant 0 : i32
        %dma_start3A_204 = tpu.memref_slice %arg6[%dma_start3A_202, %dma_start3A_203] : memref<128x256xf32, #tpu.memory_space<hbm>> -> memref<128x256xf32, #tpu.memory_space<hbm>>
        tpu.enqueue_indirect_dma source(%dma_start3A_204 : memref<128x256xf32, #tpu.memory_space<hbm>>) target(%arg26 : memref<16x256xf32, #tpu.memory_space<vmem>>) offsets(%arg16 : memref<16xi32, #tpu.memory_space<vmem>>) semaphore(%arg33 : memref<!tpu.dma_semaphore, #tpu.memory_space<semaphore_mem>>)
      } else {
      }
      %scan3A_121 = arith.constant 0 : i32
      %scan3A_122 = arith.constant 0 : i32
      %scan3A_123 = arith.constant 16 : i32
      %scan3A_124 = arith.addi %scan3A_122, %scan3A_123 : i32
      %scan3A_125 = arith.constant 1 : i32
      scf.for %scan3A_176 = %scan3A_122 to %scan3A_124 step %scan3A_125  : i32 {
        %get3A = arith.index_cast %scan3A_176 : i32 to index
        %get3A_177 = arith.constant 0 : index
        %get3A_178 = tpu.vector_load %arg17[%get3A, %get3A_177] {strides = array<i32>} : memref<16x16xi32, #tpu.memory_space<vmem>>, vector<16xi32>,
        %get3A_179 = arith.index_cast %scan3A_176 : i32 to index
        %get3A_180 = arith.constant 0 : index
        %get3A_181 = tpu.vector_load %arg19[%get3A_179, %get3A_180] {strides = array<i32>} : memref<16x16xi32, #tpu.memory_space<vmem>>, vector<16xi32>,
        %get3A_182 = arith.index_cast %scan3A_176 : i32 to index
        %get3A_183 = arith.constant 0 : index
        %get3A_184 = tpu.vector_load %arg21[%get3A_182, %get3A_183] {strides = array<i32>} : memref<16x16xi32, #tpu.memory_space<vmem>>, vector<16xi32>,
        %get3A_185 = arith.index_cast %scan3A_176 : i32 to index
        %get3A_186 = arith.constant 0 : index
        %get3A_187 = tpu.vector_load %arg23[%get3A_185, %get3A_186] {strides = array<i32>} : memref<16x256xf32, #tpu.memory_space<vmem>>, vector<16xf32>,
        %get3A_188 = arith.index_cast %scan3A_176 : i32 to index
        %get3A_189 = arith.constant 0 : index
        %get3A_190 = tpu.vector_load %arg25[%get3A_188, %get3A_189] {strides = array<i32>} : memref<16x256xf32, #tpu.memory_space<vmem>>, vector<16xf32>,
        %add3A_191 = arith.addf %get3A_187, %get3A_190 : vector<16xf32>
        %add3A_192 = arith.addi %get3A_178, %broadcast_in_dim3A_3 : vector<16xi32>
        %gather3A = tpu.vector_load_idx %arg27[%add3A_192] : memref<1792xf32, #tpu.memory_space<vmem>>[vector<16xi32>], vector<16xf32>,
        %add3A_193 = arith.addf %add3A_191, %gather3A : vector<16xf32>
        %add3A_194 = arith.addi %get3A_181, %broadcast_in_dim3A_3 : vector<16xi32>
        %gather3A_195 = tpu.vector_load_idx %arg28[%add3A_194] : memref<32768xf32, #tpu.memory_space<vmem>>[vector<16xi32>], vector<16xf32>,
        %add3A_196 = arith.addf %add3A_193, %gather3A_195 : vector<16xf32>
        %add3A_197 = arith.addi %get3A_184, %broadcast_in_dim3A_3 : vector<16xi32>
        %gather3A_198 = tpu.vector_load_idx %arg29[%add3A_197] : memref<32768xf32, #tpu.memory_space<vmem>>[vector<16xi32>], vector<16xf32>,
        %add3A_199 = arith.addf %add3A_196, %gather3A_198 : vector<16xf32>
        %swap3A = arith.index_cast %scan3A_176 : i32 to index
        %swap3A_200 = arith.constant 0 : index
        %swap3A_201 = tpu.vector_load %arg23[%swap3A, %swap3A_200] {strides = array<i32>} : memref<16x256xf32, #tpu.memory_space<vmem>>, vector<16xf32>,
        tpu.vector_store %arg23[%swap3A, %swap3A_200], %add3A_199 {strides = array<i32>} : memref<16x256xf32, #tpu.memory_space<vmem>>, vector<16xf32>,
        %get3A_202 = arith.index_cast %scan3A_176 : i32 to index
        %get3A_203 = arith.constant 16 : index
        %get3A_204 = tpu.vector_load %arg23[%get3A_202, %get3A_203] {strides = array<i32>} : memref<16x256xf32, #tpu.memory_space<vmem>>, vector<16xf32>,
        %get3A_205 = arith.index_cast %scan3A_176 : i32 to index
        %get3A_206 = arith.constant 16 : index
        %get3A_207 = tpu.vector_load %arg25[%get3A_205, %get3A_206] {strides = array<i32>} : memref<16x256xf32, #tpu.memory_space<vmem>>, vector<16xf32>,
        %add3A_208 = arith.addf %get3A_204, %get3A_207 : vector<16xf32>
        %add3A_209 = arith.addi %get3A_178, %broadcast_in_dim3A_5 : vector<16xi32>
        %gather3A_210 = tpu.vector_load_idx %arg27[%add3A_209] : memref<1792xf32, #tpu.memory_space<vmem>>[vector<16xi32>], vector<16xf32>,
        %add3A_211 = arith.addf %add3A_208, %gather3A_210 : vector<16xf32>
        %add3A_212 = arith.addi %get3A_181, %broadcast_in_dim3A_5 : vector<16xi32>
        %gather3A_213 = tpu.vector_load_idx %arg28[%add3A_212] : memref<32768xf32, #tpu.memory_space<vmem>>[vector<16xi32>], vector<16xf32>,
        %add3A_214 = arith.addf %add3A_211, %gather3A_213 : vector<16xf32>
        %add3A_215 = arith.addi %get3A_184, %broadcast_in_dim3A_5 : vector<16xi32>
        %gather3A_216 = tpu.vector_load_idx %arg29[%add3A_215] : memref<32768xf32, #tpu.memory_space<vmem>>[vector<16xi32>], vector<16xf32>,
        %add3A_217 = arith.addf %add3A_214, %gather3A_216 : vector<16xf32>
        %swap3A_218 = arith.index_cast %scan3A_176 : i32 to index
        %swap3A_219 = arith.constant 16 : index
        %swap3A_220 = tpu.vector_load %arg23[%swap3A_218, %swap3A_219] {strides = array<i32>} : memref<16x256xf32, #tpu.memory_space<vmem>>, vector<16xf32>,
        tpu.vector_store %arg23[%swap3A_218, %swap3A_219], %add3A_217 {strides = array<i32>} : memref<16x256xf32, #tpu.memory_space<vmem>>, vector<16xf32>,
        %get3A_221 = arith.index_cast %scan3A_176 : i32 to index
        %get3A_222 = arith.constant 32 : index
        %get3A_223 = tpu.vector_load %arg23[%get3A_221, %get3A_222] {strides = array<i32>} : memref<16x256xf32, #tpu.memory_space<vmem>>, vector<16xf32>,
        %get3A_224 = arith.index_cast %scan3A_176 : i32 to index
        %get3A_225 = arith.constant 32 : index
        %get3A_226 = tpu.vector_load %arg25[%get3A_224, %get3A_225] {strides = array<i32>} : memref<16x256xf32, #tpu.memory_space<vmem>>, vector<16xf32>,
        %add3A_227 = arith.addf %get3A_223, %get3A_226 : vector<16xf32>
        %add3A_228 = arith.addi %get3A_178, %broadcast_in_dim3A_7 : vector<16xi32>
        %gather3A_229 = tpu.vector_load_idx %arg27[%add3A_228] : memref<1792xf32, #tpu.memory_space<vmem>>[vector<16xi32>], vector<16xf32>,
        %add3A_230 = arith.addf %add3A_227, %gather3A_229 : vector<16xf32>
        %add3A_231 = arith.addi %get3A_181, %broadcast_in_dim3A_7 : vector<16xi32>
        %gather3A_232 = tpu.vector_load_idx %arg28[%add3A_231] : memref<32768xf32, #tpu.memory_space<vmem>>[vector<16xi32>], vector<16xf32>,
        %add3A_233 = arith.addf %add3A_230, %gather3A_232 : vector<16xf32>
        %add3A_234 = arith.addi %get3A_184, %broadcast_in_dim3A_7 : vector<16xi32>
        %gather3A_235 = tpu.vector_load_idx %arg29[%add3A_234] : memref<32768xf32, #tpu.memory_space<vmem>>[vector<16xi32>], vector<16xf32>,
        %add3A_236 = arith.addf %add3A_233, %gather3A_235 : vector<16xf32>
        %swap3A_237 = arith.index_cast %scan3A_176 : i32 to index
        %swap3A_238 = arith.constant 32 : index
        %swap3A_239 = tpu.vector_load %arg23[%swap3A_237, %swap3A_238] {strides = array<i32>} : memref<16x256xf32, #tpu.memory_space<vmem>>, vector<16xf32>,
        tpu.vector_store %arg23[%swap3A_237, %swap3A_238], %add3A_236 {strides = array<i32>} : memref<16x256xf32, #tpu.memory_space<vmem>>, vector<16xf32>,
        %get3A_240 = arith.index_cast %scan3A_176 : i32 to index
        %get3A_241 = arith.constant 48 : index
        %get3A_242 = tpu.vector_load %arg23[%get3A_240, %get3A_241] {strides = array<i32>} : memref<16x256xf32, #tpu.memory_space<vmem>>, vector<16xf32>,
        %get3A_243 = arith.index_cast %scan3A_176 : i32 to index
        %get3A_244 = arith.constant 48 : index
        %get3A_245 = tpu.vector_load %arg25[%get3A_243, %get3A_244] {strides = array<i32>} : memref<16x256xf32, #tpu.memory_space<vmem>>, vector<16xf32>,
        %add3A_246 = arith.addf %get3A_242, %get3A_245 : vector<16xf32>
        %add3A_247 = arith.addi %get3A_178, %broadcast_in_dim3A_9 : vector<16xi32>
        %gather3A_248 = tpu.vector_load_idx %arg27[%add3A_247] : memref<1792xf32, #tpu.memory_space<vmem>>[vector<16xi32>], vector<16xf32>,
        %add3A_249 = arith.addf %add3A_246, %gather3A_248 : vector<16xf32>
        %add3A_250 = arith.addi %get3A_181, %broadcast_in_dim3A_9 : vector<16xi32>
        %gather3A_251 = tpu.vector_load_idx %arg28[%add3A_250] : memref<32768xf32, #tpu.memory_space<vmem>>[vector<16xi32>], vector<16xf32>,
        %add3A_252 = arith.addf %add3A_249, %gather3A_251 : vector<16xf32>
        %add3A_253 = arith.addi %get3A_184, %broadcast_in_dim3A_9 : vector<16xi32>
        %gather3A_254 = tpu.vector_load_idx %arg29[%add3A_253] : memref<32768xf32, #tpu.memory_space<vmem>>[vector<16xi32>], vector<16xf32>,
        %add3A_255 = arith.addf %add3A_252, %gather3A_254 : vector<16xf32>
        %swap3A_256 = arith.index_cast %scan3A_176 : i32 to index
        %swap3A_257 = arith.constant 48 : index
        %swap3A_258 = tpu.vector_load %arg23[%swap3A_256, %swap3A_257] {strides = array<i32>} : memref<16x256xf32, #tpu.memory_space<vmem>>, vector<16xf32>,
        tpu.vector_store %arg23[%swap3A_256, %swap3A_257], %add3A_255 {strides = array<i32>} : memref<16x256xf32, #tpu.memory_space<vmem>>, vector<16xf32>,
        %get3A_259 = arith.index_cast %scan3A_176 : i32 to index
        %get3A_260 = arith.constant 64 : index
        %get3A_261 = tpu.vector_load %arg23[%get3A_259, %get3A_260] {strides = array<i32>} : memref<16x256xf32, #tpu.memory_space<vmem>>, vector<16xf32>,
        %get3A_262 = arith.index_cast %scan3A_176 : i32 to index
        %get3A_263 = arith.constant 64 : index
        %get3A_264 = tpu.vector_load %arg25[%get3A_262, %get3A_263] {strides = array<i32>} : memref<16x256xf32, #tpu.memory_space<vmem>>, vector<16xf32>,
        %add3A_265 = arith.addf %get3A_261, %get3A_264 : vector<16xf32>
        %add3A_266 = arith.addi %get3A_178, %broadcast_in_dim3A_11 : vector<16xi32>
        %gather3A_267 = tpu.vector_load_idx %arg27[%add3A_266] : memref<1792xf32, #tpu.memory_space<vmem>>[vector<16xi32>], vector<16xf32>,
        %add3A_268 = arith.addf %add3A_265, %gather3A_267 : vector<16xf32>
        %add3A_269 = arith.addi %get3A_181, %broadcast_in_dim3A_11 : vector<16xi32>
        %gather3A_270 = tpu.vector_load_idx %arg28[%add3A_269] : memref<32768xf32, #tpu.memory_space<vmem>>[vector<16xi32>], vector<16xf32>,
        %add3A_271 = arith.addf %add3A_268, %gather3A_270 : vector<16xf32>
        %add3A_272 = arith.addi %get3A_184, %broadcast_in_dim3A_11 : vector<16xi32>
        %gather3A_273 = tpu.vector_load_idx %arg29[%add3A_272] : memref<32768xf32, #tpu.memory_space<vmem>>[vector<16xi32>], vector<16xf32>,
        %add3A_274 = arith.addf %add3A_271, %gather3A_273 : vector<16xf32>
        %swap3A_275 = arith.index_cast %scan3A_176 : i32 to index
        %swap3A_276 = arith.constant 64 : index
        %swap3A_277 = tpu.vector_load %arg23[%swap3A_275, %swap3A_276] {strides = array<i32>} : memref<16x256xf32, #tpu.memory_space<vmem>>, vector<16xf32>,
        tpu.vector_store %arg23[%swap3A_275, %swap3A_276], %add3A_274 {strides = array<i32>} : memref<16x256xf32, #tpu.memory_space<vmem>>, vector<16xf32>,
        %get3A_278 = arith.index_cast %scan3A_176 : i32 to index
        %get3A_279 = arith.constant 80 : index
        %get3A_280 = tpu.vector_load %arg23[%get3A_278, %get3A_279] {strides = array<i32>} : memref<16x256xf32, #tpu.memory_space<vmem>>, vector<16xf32>,
        %get3A_281 = arith.index_cast %scan3A_176 : i32 to index
        %get3A_282 = arith.constant 80 : index
        %get3A_283 = tpu.vector_load %arg25[%get3A_281, %get3A_282] {strides = array<i32>} : memref<16x256xf32, #tpu.memory_space<vmem>>, vector<16xf32>,
        %add3A_284 = arith.addf %get3A_280, %get3A_283 : vector<16xf32>
        %add3A_285 = arith.addi %get3A_178, %broadcast_in_dim3A_13 : vector<16xi32>
        %gather3A_286 = tpu.vector_load_idx %arg27[%add3A_285] : memref<1792xf32, #tpu.memory_space<vmem>>[vector<16xi32>], vector<16xf32>,
        %add3A_287 = arith.addf %add3A_284, %gather3A_286 : vector<16xf32>
        %add3A_288 = arith.addi %get3A_181, %broadcast_in_dim3A_13 : vector<16xi32>
        %gather3A_289 = tpu.vector_load_idx %arg28[%add3A_288] : memref<32768xf32, #tpu.memory_space<vmem>>[vector<16xi32>], vector<16xf32>,
        %add3A_290 = arith.addf %add3A_287, %gather3A_289 : vector<16xf32>
        %add3A_291 = arith.addi %get3A_184, %broadcast_in_dim3A_13 : vector<16xi32>
        %gather3A_292 = tpu.vector_load_idx %arg29[%add3A_291] : memref<32768xf32, #tpu.memory_space<vmem>>[vector<16xi32>], vector<16xf32>,
        %add3A_293 = arith.addf %add3A_290, %gather3A_292 : vector<16xf32>
        %swap3A_294 = arith.index_cast %scan3A_176 : i32 to index
        %swap3A_295 = arith.constant 80 : index
        %swap3A_296 = tpu.vector_load %arg23[%swap3A_294, %swap3A_295] {strides = array<i32>} : memref<16x256xf32, #tpu.memory_space<vmem>>, vector<16xf32>,
        tpu.vector_store %arg23[%swap3A_294, %swap3A_295], %add3A_293 {strides = array<i32>} : memref<16x256xf32, #tpu.memory_space<vmem>>, vector<16xf32>,
        %get3A_297 = arith.index_cast %scan3A_176 : i32 to index
        %get3A_298 = arith.constant 96 : index
        %get3A_299 = tpu.vector_load %arg23[%get3A_297, %get3A_298] {strides = array<i32>} : memref<16x256xf32, #tpu.memory_space<vmem>>, vector<16xf32>,
        %get3A_300 = arith.index_cast %scan3A_176 : i32 to index
        %get3A_301 = arith.constant 96 : index
        %get3A_302 = tpu.vector_load %arg25[%get3A_300, %get3A_301] {strides = array<i32>} : memref<16x256xf32, #tpu.memory_space<vmem>>, vector<16xf32>,
        %add3A_303 = arith.addf %get3A_299, %get3A_302 : vector<16xf32>
        %add3A_304 = arith.addi %get3A_178, %broadcast_in_dim3A_15 : vector<16xi32>
        %gather3A_305 = tpu.vector_load_idx %arg27[%add3A_304] : memref<1792xf32, #tpu.memory_space<vmem>>[vector<16xi32>], vector<16xf32>,
        %add3A_306 = arith.addf %add3A_303, %gather3A_305 : vector<16xf32>
        %add3A_307 = arith.addi %get3A_181, %broadcast_in_dim3A_15 : vector<16xi32>
        %gather3A_308 = tpu.vector_load_idx %arg28[%add3A_307] : memref<32768xf32, #tpu.memory_space<vmem>>[vector<16xi32>], vector<16xf32>,
        %add3A_309 = arith.addf %add3A_306, %gather3A_308 : vector<16xf32>
        %add3A_310 = arith.addi %get3A_184, %broadcast_in_dim3A_15 : vector<16xi32>
        %gather3A_311 = tpu.vector_load_idx %arg29[%add3A_310] : memref<32768xf32, #tpu.memory_space<vmem>>[vector<16xi32>], vector<16xf32>,
        %add3A_312 = arith.addf %add3A_309, %gather3A_311 : vector<16xf32>
        %swap3A_313 = arith.index_cast %scan3A_176 : i32 to index
        %swap3A_314 = arith.constant 96 : index
        %swap3A_315 = tpu.vector_load %arg23[%swap3A_313, %swap3A_314] {strides = array<i32>} : memref<16x256xf32, #tpu.memory_space<vmem>>, vector<16xf32>,
        tpu.vector_store %arg23[%swap3A_313, %swap3A_314], %add3A_312 {strides = array<i32>} : memref<16x256xf32, #tpu.memory_space<vmem>>, vector<16xf32>,
        %get3A_316 = arith.index_cast %scan3A_176 : i32 to index
        %get3A_317 = arith.constant 112 : index
        %get3A_318 = tpu.vector_load %arg23[%get3A_316, %get3A_317] {strides = array<i32>} : memref<16x256xf32, #tpu.memory_space<vmem>>, vector<16xf32>,
        %get3A_319 = arith.index_cast %scan3A_176 : i32 to index
        %get3A_320 = arith.constant 112 : index
        %get3A_321 = tpu.vector_load %arg25[%get3A_319, %get3A_320] {strides = array<i32>} : memref<16x256xf32, #tpu.memory_space<vmem>>, vector<16xf32>,
        %add3A_322 = arith.addf %get3A_318, %get3A_321 : vector<16xf32>
        %add3A_323 = arith.addi %get3A_178, %broadcast_in_dim3A_17 : vector<16xi32>
        %gather3A_324 = tpu.vector_load_idx %arg27[%add3A_323] : memref<1792xf32, #tpu.memory_space<vmem>>[vector<16xi32>], vector<16xf32>,
        %add3A_325 = arith.addf %add3A_322, %gather3A_324 : vector<16xf32>
        %add3A_326 = arith.addi %get3A_181, %broadcast_in_dim3A_17 : vector<16xi32>
        %gather3A_327 = tpu.vector_load_idx %arg28[%add3A_326] : memref<32768xf32, #tpu.memory_space<vmem>>[vector<16xi32>], vector<16xf32>,
        %add3A_328 = arith.addf %add3A_325, %gather3A_327 : vector<16xf32>
        %add3A_329 = arith.addi %get3A_184, %broadcast_in_dim3A_17 : vector<16xi32>
        %gather3A_330 = tpu.vector_load_idx %arg29[%add3A_329] : memref<32768xf32, #tpu.memory_space<vmem>>[vector<16xi32>], vector<16xf32>,
        %add3A_331 = arith.addf %add3A_328, %gather3A_330 : vector<16xf32>
        %swap3A_332 = arith.index_cast %scan3A_176 : i32 to index
        %swap3A_333 = arith.constant 112 : index
        %swap3A_334 = tpu.vector_load %arg23[%swap3A_332, %swap3A_333] {strides = array<i32>} : memref<16x256xf32, #tpu.memory_space<vmem>>, vector<16xf32>,
        tpu.vector_store %arg23[%swap3A_332, %swap3A_333], %add3A_331 {strides = array<i32>} : memref<16x256xf32, #tpu.memory_space<vmem>>, vector<16xf32>,
        %get3A_335 = arith.index_cast %scan3A_176 : i32 to index
        %get3A_336 = arith.constant 128 : index
        %get3A_337 = tpu.vector_load %arg23[%get3A_335, %get3A_336] {strides = array<i32>} : memref<16x256xf32, #tpu.memory_space<vmem>>, vector<16xf32>,
        %get3A_338 = arith.index_cast %scan3A_176 : i32 to index
        %get3A_339 = arith.constant 128 : index
        %get3A_340 = tpu.vector_load %arg25[%get3A_338, %get3A_339] {strides = array<i32>} : memref<16x256xf32, #tpu.memory_space<vmem>>, vector<16xf32>,
        %add3A_341 = arith.addf %get3A_337, %get3A_340 : vector<16xf32>
        %add3A_342 = arith.addi %get3A_178, %broadcast_in_dim3A_19 : vector<16xi32>
        %gather3A_343 = tpu.vector_load_idx %arg27[%add3A_342] : memref<1792xf32, #tpu.memory_space<vmem>>[vector<16xi32>], vector<16xf32>,
        %add3A_344 = arith.addf %add3A_341, %gather3A_343 : vector<16xf32>
        %add3A_345 = arith.addi %get3A_181, %broadcast_in_dim3A_19 : vector<16xi32>
        %gather3A_346 = tpu.vector_load_idx %arg28[%add3A_345] : memref<32768xf32, #tpu.memory_space<vmem>>[vector<16xi32>], vector<16xf32>,
        %add3A_347 = arith.addf %add3A_344, %gather3A_346 : vector<16xf32>
        %add3A_348 = arith.addi %get3A_184, %broadcast_in_dim3A_19 : vector<16xi32>
        %gather3A_349 = tpu.vector_load_idx %arg29[%add3A_348] : memref<32768xf32, #tpu.memory_space<vmem>>[vector<16xi32>], vector<16xf32>,
        %add3A_350 = arith.addf %add3A_347, %gather3A_349 : vector<16xf32>
        %swap3A_351 = arith.index_cast %scan3A_176 : i32 to index
        %swap3A_352 = arith.constant 128 : index
        %swap3A_353 = tpu.vector_load %arg23[%swap3A_351, %swap3A_352] {strides = array<i32>} : memref<16x256xf32, #tpu.memory_space<vmem>>, vector<16xf32>,
        tpu.vector_store %arg23[%swap3A_351, %swap3A_352], %add3A_350 {strides = array<i32>} : memref<16x256xf32, #tpu.memory_space<vmem>>, vector<16xf32>,
        %get3A_354 = arith.index_cast %scan3A_176 : i32 to index
        %get3A_355 = arith.constant 144 : index
        %get3A_356 = tpu.vector_load %arg23[%get3A_354, %get3A_355] {strides = array<i32>} : memref<16x256xf32, #tpu.memory_space<vmem>>, vector<16xf32>,
        %get3A_357 = arith.index_cast %scan3A_176 : i32 to index
        %get3A_358 = arith.constant 144 : index
        %get3A_359 = tpu.vector_load %arg25[%get3A_357, %get3A_358] {strides = array<i32>} : memref<16x256xf32, #tpu.memory_space<vmem>>, vector<16xf32>,
        %add3A_360 = arith.addf %get3A_356, %get3A_359 : vector<16xf32>
        %add3A_361 = arith.addi %get3A_178, %broadcast_in_dim3A_21 : vector<16xi32>
        %gather3A_362 = tpu.vector_load_idx %arg27[%add3A_361] : memref<1792xf32, #tpu.memory_space<vmem>>[vector<16xi32>], vector<16xf32>,
        %add3A_363 = arith.addf %add3A_360, %gather3A_362 : vector<16xf32>
        %add3A_364 = arith.addi %get3A_181, %broadcast_in_dim3A_21 : vector<16xi32>
        %gather3A_365 = tpu.vector_load_idx %arg28[%add3A_364] : memref<32768xf32, #tpu.memory_space<vmem>>[vector<16xi32>], vector<16xf32>,
        %add3A_366 = arith.addf %add3A_363, %gather3A_365 : vector<16xf32>
        %add3A_367 = arith.addi %get3A_184, %broadcast_in_dim3A_21 : vector<16xi32>
        %gather3A_368 = tpu.vector_load_idx %arg29[%add3A_367] : memref<32768xf32, #tpu.memory_space<vmem>>[vector<16xi32>], vector<16xf32>,
        %add3A_369 = arith.addf %add3A_366, %gather3A_368 : vector<16xf32>
        %swap3A_370 = arith.index_cast %scan3A_176 : i32 to index
        %swap3A_371 = arith.constant 144 : index
        %swap3A_372 = tpu.vector_load %arg23[%swap3A_370, %swap3A_371] {strides = array<i32>} : memref<16x256xf32, #tpu.memory_space<vmem>>, vector<16xf32>,
        tpu.vector_store %arg23[%swap3A_370, %swap3A_371], %add3A_369 {strides = array<i32>} : memref<16x256xf32, #tpu.memory_space<vmem>>, vector<16xf32>,
        %get3A_373 = arith.index_cast %scan3A_176 : i32 to index
        %get3A_374 = arith.constant 160 : index
        %get3A_375 = tpu.vector_load %arg23[%get3A_373, %get3A_374] {strides = array<i32>} : memref<16x256xf32, #tpu.memory_space<vmem>>, vector<16xf32>,
        %get3A_376 = arith.index_cast %scan3A_176 : i32 to index
        %get3A_377 = arith.constant 160 : index
        %get3A_378 = tpu.vector_load %arg25[%get3A_376, %get3A_377] {strides = array<i32>} : memref<16x256xf32, #tpu.memory_space<vmem>>, vector<16xf32>,
        %add3A_379 = arith.addf %get3A_375, %get3A_378 : vector<16xf32>
        %add3A_380 = arith.addi %get3A_178, %broadcast_in_dim3A_23 : vector<16xi32>
        %gather3A_381 = tpu.vector_load_idx %arg27[%add3A_380] : memref<1792xf32, #tpu.memory_space<vmem>>[vector<16xi32>], vector<16xf32>,
        %add3A_382 = arith.addf %add3A_379, %gather3A_381 : vector<16xf32>
        %add3A_383 = arith.addi %get3A_181, %broadcast_in_dim3A_23 : vector<16xi32>
        %gather3A_384 = tpu.vector_load_idx %arg28[%add3A_383] : memref<32768xf32, #tpu.memory_space<vmem>>[vector<16xi32>], vector<16xf32>,
        %add3A_385 = arith.addf %add3A_382, %gather3A_384 : vector<16xf32>
        %add3A_386 = arith.addi %get3A_184, %broadcast_in_dim3A_23 : vector<16xi32>
        %gather3A_387 = tpu.vector_load_idx %arg29[%add3A_386] : memref<32768xf32, #tpu.memory_space<vmem>>[vector<16xi32>], vector<16xf32>,
        %add3A_388 = arith.addf %add3A_385, %gather3A_387 : vector<16xf32>
        %swap3A_389 = arith.index_cast %scan3A_176 : i32 to index
        %swap3A_390 = arith.constant 160 : index
        %swap3A_391 = tpu.vector_load %arg23[%swap3A_389, %swap3A_390] {strides = array<i32>} : memref<16x256xf32, #tpu.memory_space<vmem>>, vector<16xf32>,
        tpu.vector_store %arg23[%swap3A_389, %swap3A_390], %add3A_388 {strides = array<i32>} : memref<16x256xf32, #tpu.memory_space<vmem>>, vector<16xf32>,
        %get3A_392 = arith.index_cast %scan3A_176 : i32 to index
        %get3A_393 = arith.constant 176 : index
        %get3A_394 = tpu.vector_load %arg23[%get3A_392, %get3A_393] {strides = array<i32>} : memref<16x256xf32, #tpu.memory_space<vmem>>, vector<16xf32>,
        %get3A_395 = arith.index_cast %scan3A_176 : i32 to index
        %get3A_396 = arith.constant 176 : index
        %get3A_397 = tpu.vector_load %arg25[%get3A_395, %get3A_396] {strides = array<i32>} : memref<16x256xf32, #tpu.memory_space<vmem>>, vector<16xf32>,
        %add3A_398 = arith.addf %get3A_394, %get3A_397 : vector<16xf32>
        %add3A_399 = arith.addi %get3A_178, %broadcast_in_dim3A_25 : vector<16xi32>
        %gather3A_400 = tpu.vector_load_idx %arg27[%add3A_399] : memref<1792xf32, #tpu.memory_space<vmem>>[vector<16xi32>], vector<16xf32>,
        %add3A_401 = arith.addf %add3A_398, %gather3A_400 : vector<16xf32>
        %add3A_402 = arith.addi %get3A_181, %broadcast_in_dim3A_25 : vector<16xi32>
        %gather3A_403 = tpu.vector_load_idx %arg28[%add3A_402] : memref<32768xf32, #tpu.memory_space<vmem>>[vector<16xi32>], vector<16xf32>,
        %add3A_404 = arith.addf %add3A_401, %gather3A_403 : vector<16xf32>
        %add3A_405 = arith.addi %get3A_184, %broadcast_in_dim3A_25 : vector<16xi32>
        %gather3A_406 = tpu.vector_load_idx %arg29[%add3A_405] : memref<32768xf32, #tpu.memory_space<vmem>>[vector<16xi32>], vector<16xf32>,
        %add3A_407 = arith.addf %add3A_404, %gather3A_406 : vector<16xf32>
        %swap3A_408 = arith.index_cast %scan3A_176 : i32 to index
        %swap3A_409 = arith.constant 176 : index
        %swap3A_410 = tpu.vector_load %arg23[%swap3A_408, %swap3A_409] {strides = array<i32>} : memref<16x256xf32, #tpu.memory_space<vmem>>, vector<16xf32>,
        tpu.vector_store %arg23[%swap3A_408, %swap3A_409], %add3A_407 {strides = array<i32>} : memref<16x256xf32, #tpu.memory_space<vmem>>, vector<16xf32>,
        %get3A_411 = arith.index_cast %scan3A_176 : i32 to index
        %get3A_412 = arith.constant 192 : index
        %get3A_413 = tpu.vector_load %arg23[%get3A_411, %get3A_412] {strides = array<i32>} : memref<16x256xf32, #tpu.memory_space<vmem>>, vector<16xf32>,
        %get3A_414 = arith.index_cast %scan3A_176 : i32 to index
        %get3A_415 = arith.constant 192 : index
        %get3A_416 = tpu.vector_load %arg25[%get3A_414, %get3A_415] {strides = array<i32>} : memref<16x256xf32, #tpu.memory_space<vmem>>, vector<16xf32>,
        %add3A_417 = arith.addf %get3A_413, %get3A_416 : vector<16xf32>
        %add3A_418 = arith.addi %get3A_178, %broadcast_in_dim3A_27 : vector<16xi32>
        %gather3A_419 = tpu.vector_load_idx %arg27[%add3A_418] : memref<1792xf32, #tpu.memory_space<vmem>>[vector<16xi32>], vector<16xf32>,
        %add3A_420 = arith.addf %add3A_417, %gather3A_419 : vector<16xf32>
        %add3A_421 = arith.addi %get3A_181, %broadcast_in_dim3A_27 : vector<16xi32>
        %gather3A_422 = tpu.vector_load_idx %arg28[%add3A_421] : memref<32768xf32, #tpu.memory_space<vmem>>[vector<16xi32>], vector<16xf32>,
        %add3A_423 = arith.addf %add3A_420, %gather3A_422 : vector<16xf32>
        %add3A_424 = arith.addi %get3A_184, %broadcast_in_dim3A_27 : vector<16xi32>
        %gather3A_425 = tpu.vector_load_idx %arg29[%add3A_424] : memref<32768xf32, #tpu.memory_space<vmem>>[vector<16xi32>], vector<16xf32>,
        %add3A_426 = arith.addf %add3A_423, %gather3A_425 : vector<16xf32>
        %swap3A_427 = arith.index_cast %scan3A_176 : i32 to index
        %swap3A_428 = arith.constant 192 : index
        %swap3A_429 = tpu.vector_load %arg23[%swap3A_427, %swap3A_428] {strides = array<i32>} : memref<16x256xf32, #tpu.memory_space<vmem>>, vector<16xf32>,
        tpu.vector_store %arg23[%swap3A_427, %swap3A_428], %add3A_426 {strides = array<i32>} : memref<16x256xf32, #tpu.memory_space<vmem>>, vector<16xf32>,
        %get3A_430 = arith.index_cast %scan3A_176 : i32 to index
        %get3A_431 = arith.constant 208 : index
        %get3A_432 = tpu.vector_load %arg23[%get3A_430, %get3A_431] {strides = array<i32>} : memref<16x256xf32, #tpu.memory_space<vmem>>, vector<16xf32>,
        %get3A_433 = arith.index_cast %scan3A_176 : i32 to index
        %get3A_434 = arith.constant 208 : index
        %get3A_435 = tpu.vector_load %arg25[%get3A_433, %get3A_434] {strides = array<i32>} : memref<16x256xf32, #tpu.memory_space<vmem>>, vector<16xf32>,
        %add3A_436 = arith.addf %get3A_432, %get3A_435 : vector<16xf32>
        %add3A_437 = arith.addi %get3A_178, %broadcast_in_dim3A_29 : vector<16xi32>
        %gather3A_438 = tpu.vector_load_idx %arg27[%add3A_437] : memref<1792xf32, #tpu.memory_space<vmem>>[vector<16xi32>], vector<16xf32>,
        %add3A_439 = arith.addf %add3A_436, %gather3A_438 : vector<16xf32>
        %add3A_440 = arith.addi %get3A_181, %broadcast_in_dim3A_29 : vector<16xi32>
        %gather3A_441 = tpu.vector_load_idx %arg28[%add3A_440] : memref<32768xf32, #tpu.memory_space<vmem>>[vector<16xi32>], vector<16xf32>,
        %add3A_442 = arith.addf %add3A_439, %gather3A_441 : vector<16xf32>
        %add3A_443 = arith.addi %get3A_184, %broadcast_in_dim3A_29 : vector<16xi32>
        %gather3A_444 = tpu.vector_load_idx %arg29[%add3A_443] : memref<32768xf32, #tpu.memory_space<vmem>>[vector<16xi32>], vector<16xf32>,
        %add3A_445 = arith.addf %add3A_442, %gather3A_444 : vector<16xf32>
        %swap3A_446 = arith.index_cast %scan3A_176 : i32 to index
        %swap3A_447 = arith.constant 208 : index
        %swap3A_448 = tpu.vector_load %arg23[%swap3A_446, %swap3A_447] {strides = array<i32>} : memref<16x256xf32, #tpu.memory_space<vmem>>, vector<16xf32>,
        tpu.vector_store %arg23[%swap3A_446, %swap3A_447], %add3A_445 {strides = array<i32>} : memref<16x256xf32, #tpu.memory_space<vmem>>, vector<16xf32>,
        %get3A_449 = arith.index_cast %scan3A_176 : i32 to index
        %get3A_450 = arith.constant 224 : index
        %get3A_451 = tpu.vector_load %arg23[%get3A_449, %get3A_450] {strides = array<i32>} : memref<16x256xf32, #tpu.memory_space<vmem>>, vector<16xf32>,
        %get3A_452 = arith.index_cast %scan3A_176 : i32 to index
        %get3A_453 = arith.constant 224 : index
        %get3A_454 = tpu.vector_load %arg25[%get3A_452, %get3A_453] {strides = array<i32>} : memref<16x256xf32, #tpu.memory_space<vmem>>, vector<16xf32>,
        %add3A_455 = arith.addf %get3A_451, %get3A_454 : vector<16xf32>
        %add3A_456 = arith.addi %get3A_178, %broadcast_in_dim3A_31 : vector<16xi32>
        %gather3A_457 = tpu.vector_load_idx %arg27[%add3A_456] : memref<1792xf32, #tpu.memory_space<vmem>>[vector<16xi32>], vector<16xf32>,
        %add3A_458 = arith.addf %add3A_455, %gather3A_457 : vector<16xf32>
        %add3A_459 = arith.addi %get3A_181, %broadcast_in_dim3A_31 : vector<16xi32>
        %gather3A_460 = tpu.vector_load_idx %arg28[%add3A_459] : memref<32768xf32, #tpu.memory_space<vmem>>[vector<16xi32>], vector<16xf32>,
        %add3A_461 = arith.addf %add3A_458, %gather3A_460 : vector<16xf32>
        %add3A_462 = arith.addi %get3A_184, %broadcast_in_dim3A_31 : vector<16xi32>
        %gather3A_463 = tpu.vector_load_idx %arg29[%add3A_462] : memref<32768xf32, #tpu.memory_space<vmem>>[vector<16xi32>], vector<16xf32>,
        %add3A_464 = arith.addf %add3A_461, %gather3A_463 : vector<16xf32>
        %swap3A_465 = arith.index_cast %scan3A_176 : i32 to index
        %swap3A_466 = arith.constant 224 : index
        %swap3A_467 = tpu.vector_load %arg23[%swap3A_465, %swap3A_466] {strides = array<i32>} : memref<16x256xf32, #tpu.memory_space<vmem>>, vector<16xf32>,
        tpu.vector_store %arg23[%swap3A_465, %swap3A_466], %add3A_464 {strides = array<i32>} : memref<16x256xf32, #tpu.memory_space<vmem>>, vector<16xf32>,
        %get3A_468 = arith.index_cast %scan3A_176 : i32 to index
        %get3A_469 = arith.constant 240 : index
        %get3A_470 = tpu.vector_load %arg23[%get3A_468, %get3A_469] {strides = array<i32>} : memref<16x256xf32, #tpu.memory_space<vmem>>, vector<16xf32>,
        %get3A_471 = arith.index_cast %scan3A_176 : i32 to index
        %get3A_472 = arith.constant 240 : index
        %get3A_473 = tpu.vector_load %arg25[%get3A_471, %get3A_472] {strides = array<i32>} : memref<16x256xf32, #tpu.memory_space<vmem>>, vector<16xf32>,
        %add3A_474 = arith.addf %get3A_470, %get3A_473 : vector<16xf32>
        %add3A_475 = arith.addi %get3A_178, %broadcast_in_dim3A_33 : vector<16xi32>
        %gather3A_476 = tpu.vector_load_idx %arg27[%add3A_475] : memref<1792xf32, #tpu.memory_space<vmem>>[vector<16xi32>], vector<16xf32>,
        %add3A_477 = arith.addf %add3A_474, %gather3A_476 : vector<16xf32>
        %add3A_478 = arith.addi %get3A_181, %broadcast_in_dim3A_33 : vector<16xi32>
        %gather3A_479 = tpu.vector_load_idx %arg28[%add3A_478] : memref<32768xf32, #tpu.memory_space<vmem>>[vector<16xi32>], vector<16xf32>,
        %add3A_480 = arith.addf %add3A_477, %gather3A_479 : vector<16xf32>
        %add3A_481 = arith.addi %get3A_184, %broadcast_in_dim3A_33 : vector<16xi32>
        %gather3A_482 = tpu.vector_load_idx %arg29[%add3A_481] : memref<32768xf32, #tpu.memory_space<vmem>>[vector<16xi32>], vector<16xf32>,
        %add3A_483 = arith.addf %add3A_480, %gather3A_482 : vector<16xf32>
        %swap3A_484 = arith.index_cast %scan3A_176 : i32 to index
        %swap3A_485 = arith.constant 240 : index
        %swap3A_486 = tpu.vector_load %arg23[%swap3A_484, %swap3A_485] {strides = array<i32>} : memref<16x256xf32, #tpu.memory_space<vmem>>, vector<16xf32>,
        tpu.vector_store %arg23[%swap3A_484, %swap3A_485], %add3A_483 {strides = array<i32>} : memref<16x256xf32, #tpu.memory_space<vmem>>, vector<16xf32>,
      }
      %scan3A_126 = arith.constant 16 : i32
      %mul3A_127 = arith.constant 16 : i32
      %mul3A_128 = arith.muli %add3A_110, %mul3A_127 : i32
      %add3A_129 = arith.addi %mul3A_2, %mul3A_128 : i32
      %dma_start3A_130 = arith.constant 0 : i32
      %dma_start3A_131 = tpu.memref_slice %arg12[%add3A_129, %dma_start3A_130] : memref<32768x256xf32, #tpu.memory_space<hbm>> -> memref<16x256xf32, #tpu.memory_space<hbm>>
      %dma_start3A_132 = arith.constant 0 : i32
      %dma_start3A_133 = tpu.memref_slice %arg12[%add3A_129, %dma_start3A_132] : memref<32768x256xf32, #tpu.memory_space<hbm>> -> memref<16x256xf32, #tpu.memory_space<hbm>>
      tpu.enqueue_dma source(%arg23 : memref<16x256xf32, #tpu.memory_space<vmem>>) target(%dma_start3A_133 : memref<16x256xf32, #tpu.memory_space<hbm>>) target_semaphore(%arg34 : memref<!tpu.dma_semaphore, #tpu.memory_space<semaphore_mem>>)
      %add3A_134 = arith.constant 2 : i32
      %add3A_135 = arith.addi %add3A_110, %add3A_134 : i32
      %lt3A_136 = arith.constant 64 : i32
      %lt3A_137 = arith.cmpi slt, %add3A_135, %lt3A_136 : i32
      %convert_element_type3A_138 = arith.extui %lt3A_137 : i1 to i32
      %cond3A_139 = arith.constant 0 : i32
      %cond3A_140 = arith.cmpi ne, %convert_element_type3A_138, %cond3A_139 : i32
      scf.if %cond3A_140 {
        %add3A_176 = arith.constant 2 : i32
        %add3A_177 = arith.addi %add3A_110, %add3A_176 : i32
        %mul3A_178 = arith.constant 16 : i32
        %mul3A_179 = arith.muli %add3A_177, %mul3A_178 : i32
        %add3A_180 = arith.addi %mul3A_2, %mul3A_179 : i32
        %dma_start3A_181 = tpu.memref_slice %arg7[%add3A_180] : memref<32768xi32, #tpu.memory_space<hbm>> -> memref<16xi32, #tpu.memory_space<hbm>>
        %dma_start3A_182 = tpu.memref_slice %arg7[%add3A_180] : memref<32768xi32, #tpu.memory_space<hbm>> -> memref<16xi32, #tpu.memory_space<hbm>>
        tpu.enqueue_dma source(%dma_start3A_182 : memref<16xi32, #tpu.memory_space<hbm>>) target(%arg13 : memref<16xi32, #tpu.memory_space<vmem>>) target_semaphore(%arg30 : memref<!tpu.dma_semaphore, #tpu.memory_space<semaphore_mem>>)
        %dma_start3A_183 = tpu.memref_slice %arg11[%add3A_180] : memref<32768xi32, #tpu.memory_space<hbm>> -> memref<16xi32, #tpu.memory_space<hbm>>
        %dma_start3A_184 = tpu.memref_slice %arg11[%add3A_180] : memref<32768xi32, #tpu.memory_space<hbm>> -> memref<16xi32, #tpu.memory_space<hbm>>
        tpu.enqueue_dma source(%dma_start3A_184 : memref<16xi32, #tpu.memory_space<hbm>>) target(%arg15 : memref<16xi32, #tpu.memory_space<vmem>>) target_semaphore(%arg30 : memref<!tpu.dma_semaphore, #tpu.memory_space<semaphore_mem>>)
        %dma_start3A_185 = arith.constant 0 : i32
        %dma_start3A_186 = tpu.memref_slice %arg8[%add3A_180, %dma_start3A_185] : memref<32768x16xi32, #tpu.memory_space<hbm>> -> memref<16x16xi32, #tpu.memory_space<hbm>>
        %dma_start3A_187 = arith.constant 0 : i32
        %dma_start3A_188 = tpu.memref_slice %arg8[%add3A_180, %dma_start3A_187] : memref<32768x16xi32, #tpu.memory_space<hbm>> -> memref<16x16xi32, #tpu.memory_space<hbm>>
        tpu.enqueue_dma source(%dma_start3A_188 : memref<16x16xi32, #tpu.memory_space<hbm>>) target(%arg17 : memref<16x16xi32, #tpu.memory_space<vmem>>) target_semaphore(%arg30 : memref<!tpu.dma_semaphore, #tpu.memory_space<semaphore_mem>>)
        %dma_start3A_189 = arith.constant 0 : i32
        %dma_start3A_190 = tpu.memref_slice %arg9[%add3A_180, %dma_start3A_189] : memref<32768x16xi32, #tpu.memory_space<hbm>> -> memref<16x16xi32, #tpu.memory_space<hbm>>
        %dma_start3A_191 = arith.constant 0 : i32
        %dma_start3A_192 = tpu.memref_slice %arg9[%add3A_180, %dma_start3A_191] : memref<32768x16xi32, #tpu.memory_space<hbm>> -> memref<16x16xi32, #tpu.memory_space<hbm>>
        tpu.enqueue_dma source(%dma_start3A_192 : memref<16x16xi32, #tpu.memory_space<hbm>>) target(%arg19 : memref<16x16xi32, #tpu.memory_space<vmem>>) target_semaphore(%arg30 : memref<!tpu.dma_semaphore, #tpu.memory_space<semaphore_mem>>)
        %dma_start3A_193 = arith.constant 0 : i32
        %dma_start3A_194 = tpu.memref_slice %arg10[%add3A_180, %dma_start3A_193] : memref<32768x16xi32, #tpu.memory_space<hbm>> -> memref<16x16xi32, #tpu.memory_space<hbm>>
        %dma_start3A_195 = arith.constant 0 : i32
        %dma_start3A_196 = tpu.memref_slice %arg10[%add3A_180, %dma_start3A_195] : memref<32768x16xi32, #tpu.memory_space<hbm>> -> memref<16x16xi32, #tpu.memory_space<hbm>>
        tpu.enqueue_dma source(%dma_start3A_196 : memref<16x16xi32, #tpu.memory_space<hbm>>) target(%arg21 : memref<16x16xi32, #tpu.memory_space<vmem>>) target_semaphore(%arg30 : memref<!tpu.dma_semaphore, #tpu.memory_space<semaphore_mem>>)
      } else {
      }
      %add3A_141 = arith.constant 1 : i32
      %add3A_142 = arith.addi %add3A_108, %add3A_141 : i32
      %add3A_143 = arith.constant 1 : i32
      %add3A_144 = arith.addi %add3A_142, %add3A_143 : i32
      %dma_wait3A_145 = arith.constant 0 : i32
      %dma_wait3A_146 = arith.constant 0 : i32
      %dma_wait3A_147 = tpu.memref_slice %arg2[%dma_wait3A_145, %dma_wait3A_146] : memref<8193x256xf32, #tpu.memory_space<hbm>> -> memref<8193x256xf32, #tpu.memory_space<hbm>>
      tpu.wait_indirect_dma semaphore(%arg33 : memref<!tpu.dma_semaphore, #tpu.memory_space<semaphore_mem>>) src(%dma_wait3A_147 : memref<8193x256xf32, #tpu.memory_space<hbm>>) dst(%arg24 : memref<16x256xf32, #tpu.memory_space<vmem>>)
      %dma_wait3A_148 = arith.constant 0 : i32
      %dma_wait3A_149 = arith.constant 0 : i32
      %dma_wait3A_150 = tpu.memref_slice %arg6[%dma_wait3A_148, %dma_wait3A_149] : memref<128x256xf32, #tpu.memory_space<hbm>> -> memref<128x256xf32, #tpu.memory_space<hbm>>
      tpu.wait_indirect_dma semaphore(%arg33 : memref<!tpu.dma_semaphore, #tpu.memory_space<semaphore_mem>>) src(%dma_wait3A_150 : memref<128x256xf32, #tpu.memory_space<hbm>>) dst(%arg26 : memref<16x256xf32, #tpu.memory_space<vmem>>)
      %lt3A_151 = arith.constant 64 : i32
      %lt3A_152 = arith.cmpi slt, %add3A_144, %lt3A_151 : i32
      %convert_element_type3A_153 = arith.extui %lt3A_152 : i1 to i32
      %cond3A_154 = arith.constant 0 : i32
      %cond3A_155 = arith.cmpi ne, %convert_element_type3A_153, %cond3A_154 : i32
      scf.if %cond3A_155 {
        %mul3A_176 = arith.constant 16 : i32
        %mul3A_177 = arith.muli %add3A_144, %mul3A_176 : i32
        %add3A_178 = arith.addi %mul3A_2, %mul3A_177 : i32
        %dma_wait3A_179 = tpu.memref_slice %arg7[%add3A_178] : memref<32768xi32, #tpu.memory_space<hbm>> -> memref<16xi32, #tpu.memory_space<hbm>>
        %dma_wait3A_180 = tpu.memref_slice %arg7[%add3A_178] : memref<32768xi32, #tpu.memory_space<hbm>> -> memref<16xi32, #tpu.memory_space<hbm>>
        tpu.wait_dma2 semaphore(%arg30 : memref<!tpu.dma_semaphore, #tpu.memory_space<semaphore_mem>>) src(%dma_wait3A_180 : memref<16xi32, #tpu.memory_space<hbm>>) dst(%arg13 : memref<16xi32, #tpu.memory_space<vmem>>)
        %dma_wait3A_181 = tpu.memref_slice %arg11[%add3A_178] : memref<32768xi32, #tpu.memory_space<hbm>> -> memref<16xi32, #tpu.memory_space<hbm>>
        %dma_wait3A_182 = tpu.memref_slice %arg11[%add3A_178] : memref<32768xi32, #tpu.memory_space<hbm>> -> memref<16xi32, #tpu.memory_space<hbm>>
        tpu.wait_dma2 semaphore(%arg30 : memref<!tpu.dma_semaphore, #tpu.memory_space<semaphore_mem>>) src(%dma_wait3A_182 : memref<16xi32, #tpu.memory_space<hbm>>) dst(%arg15 : memref<16xi32, #tpu.memory_space<vmem>>)
        %dma_wait3A_183 = arith.constant 0 : i32
        %dma_wait3A_184 = tpu.memref_slice %arg8[%add3A_178, %dma_wait3A_183] : memref<32768x16xi32, #tpu.memory_space<hbm>> -> memref<16x16xi32, #tpu.memory_space<hbm>>
        %dma_wait3A_185 = arith.constant 0 : i32
        %dma_wait3A_186 = tpu.memref_slice %arg8[%add3A_178, %dma_wait3A_185] : memref<32768x16xi32, #tpu.memory_space<hbm>> -> memref<16x16xi32, #tpu.memory_space<hbm>>
        tpu.wait_dma2 semaphore(%arg30 : memref<!tpu.dma_semaphore, #tpu.memory_space<semaphore_mem>>) src(%dma_wait3A_186 : memref<16x16xi32, #tpu.memory_space<hbm>>) dst(%arg17 : memref<16x16xi32, #tpu.memory_space<vmem>>)
        %dma_wait3A_187 = arith.constant 0 : i32
        %dma_wait3A_188 = tpu.memref_slice %arg9[%add3A_178, %dma_wait3A_187] : memref<32768x16xi32, #tpu.memory_space<hbm>> -> memref<16x16xi32, #tpu.memory_space<hbm>>
        %dma_wait3A_189 = arith.constant 0 : i32
        %dma_wait3A_190 = tpu.memref_slice %arg9[%add3A_178, %dma_wait3A_189] : memref<32768x16xi32, #tpu.memory_space<hbm>> -> memref<16x16xi32, #tpu.memory_space<hbm>>
        tpu.wait_dma2 semaphore(%arg30 : memref<!tpu.dma_semaphore, #tpu.memory_space<semaphore_mem>>) src(%dma_wait3A_190 : memref<16x16xi32, #tpu.memory_space<hbm>>) dst(%arg19 : memref<16x16xi32, #tpu.memory_space<vmem>>)
        %dma_wait3A_191 = arith.constant 0 : i32
        %dma_wait3A_192 = tpu.memref_slice %arg10[%add3A_178, %dma_wait3A_191] : memref<32768x16xi32, #tpu.memory_space<hbm>> -> memref<16x16xi32, #tpu.memory_space<hbm>>
        %dma_wait3A_193 = arith.constant 0 : i32
        %dma_wait3A_194 = tpu.memref_slice %arg10[%add3A_178, %dma_wait3A_193] : memref<32768x16xi32, #tpu.memory_space<hbm>> -> memref<16x16xi32, #tpu.memory_space<hbm>>
        tpu.wait_dma2 semaphore(%arg30 : memref<!tpu.dma_semaphore, #tpu.memory_space<semaphore_mem>>) src(%dma_wait3A_194 : memref<16x16xi32, #tpu.memory_space<hbm>>) dst(%arg21 : memref<16x16xi32, #tpu.memory_space<vmem>>)
        %ge3A = arith.constant 2 : i32
        %ge3A_195 = arith.cmpi sge, %add3A_144, %ge3A : i32
        %convert_element_type3A_196 = arith.extui %ge3A_195 : i1 to i32
        %cond3A_197 = arith.constant 0 : i32
        %cond3A_198 = arith.cmpi ne, %convert_element_type3A_196, %cond3A_197 : i32
        scf.if %cond3A_198 {
          %dma_wait3A_205 = arith.constant 0 : i32
          %dma_wait3A_206 = tpu.memref_slice %arg12[%mul3A_2, %dma_wait3A_205] : memref<32768x256xf32, #tpu.memory_space<hbm>> -> memref<16x256xf32, #tpu.memory_space<hbm>>
          %dma_wait3A_207 = arith.constant 0 : i32
          %dma_wait3A_208 = tpu.memref_slice %arg12[%mul3A_2, %dma_wait3A_207] : memref<32768x256xf32, #tpu.memory_space<hbm>> -> memref<16x256xf32, #tpu.memory_space<hbm>>
          tpu.wait_dma2 semaphore(%arg34 : memref<!tpu.dma_semaphore, #tpu.memory_space<semaphore_mem>>) src(%arg23 : memref<16x256xf32, #tpu.memory_space<vmem>>) dst(%dma_wait3A_208 : memref<16x256xf32, #tpu.memory_space<hbm>>)
        } else {
        }
        %dma_start3A_199 = arith.constant 0 : i32
        %dma_start3A_200 = arith.constant 0 : i32
        %dma_start3A_201 = tpu.memref_slice %arg2[%dma_start3A_199, %dma_start3A_200] : memref<8193x256xf32, #tpu.memory_space<hbm>> -> memref<8193x256xf32, #tpu.memory_space<hbm>>
        tpu.enqueue_indirect_dma source(%dma_start3A_201 : memref<8193x256xf32, #tpu.memory_space<hbm>>) target(%arg23 : memref<16x256xf32, #tpu.memory_space<vmem>>) offsets(%arg13 : memref<16xi32, #tpu.memory_space<vmem>>) semaphore(%arg32 : memref<!tpu.dma_semaphore, #tpu.memory_space<semaphore_mem>>)
        %dma_start3A_202 = arith.constant 0 : i32
        %dma_start3A_203 = arith.constant 0 : i32
        %dma_start3A_204 = tpu.memref_slice %arg6[%dma_start3A_202, %dma_start3A_203] : memref<128x256xf32, #tpu.memory_space<hbm>> -> memref<128x256xf32, #tpu.memory_space<hbm>>
        tpu.enqueue_indirect_dma source(%dma_start3A_204 : memref<128x256xf32, #tpu.memory_space<hbm>>) target(%arg25 : memref<16x256xf32, #tpu.memory_space<vmem>>) offsets(%arg15 : memref<16xi32, #tpu.memory_space<vmem>>) semaphore(%arg32 : memref<!tpu.dma_semaphore, #tpu.memory_space<semaphore_mem>>)
      } else {
      }
      %scan3A_156 = arith.constant 0 : i32
      %scan3A_157 = arith.constant 0 : i32
      %scan3A_158 = arith.constant 16 : i32
      %scan3A_159 = arith.addi %scan3A_157, %scan3A_158 : i32
      %scan3A_160 = arith.constant 1 : i32
      scf.for %scan3A_176 = %scan3A_157 to %scan3A_159 step %scan3A_160  : i32 {
        %get3A = arith.index_cast %scan3A_176 : i32 to index
        %get3A_177 = arith.constant 0 : index
        %get3A_178 = tpu.vector_load %arg18[%get3A, %get3A_177] {strides = array<i32>} : memref<16x16xi32, #tpu.memory_space<vmem>>, vector<16xi32>,
        %get3A_179 = arith.index_cast %scan3A_176 : i32 to index
        %get3A_180 = arith.constant 0 : index
        %get3A_181 = tpu.vector_load %arg20[%get3A_179, %get3A_180] {strides = array<i32>} : memref<16x16xi32, #tpu.memory_space<vmem>>, vector<16xi32>,
        %get3A_182 = arith.index_cast %scan3A_176 : i32 to index
        %get3A_183 = arith.constant 0 : index
        %get3A_184 = tpu.vector_load %arg22[%get3A_182, %get3A_183] {strides = array<i32>} : memref<16x16xi32, #tpu.memory_space<vmem>>, vector<16xi32>,
        %get3A_185 = arith.index_cast %scan3A_176 : i32 to index
        %get3A_186 = arith.constant 0 : index
        %get3A_187 = tpu.vector_load %arg24[%get3A_185, %get3A_186] {strides = array<i32>} : memref<16x256xf32, #tpu.memory_space<vmem>>, vector<16xf32>,
        %get3A_188 = arith.index_cast %scan3A_176 : i32 to index
        %get3A_189 = arith.constant 0 : index
        %get3A_190 = tpu.vector_load %arg26[%get3A_188, %get3A_189] {strides = array<i32>} : memref<16x256xf32, #tpu.memory_space<vmem>>, vector<16xf32>,
        %add3A_191 = arith.addf %get3A_187, %get3A_190 : vector<16xf32>
        %add3A_192 = arith.addi %get3A_178, %broadcast_in_dim3A_3 : vector<16xi32>
        %gather3A = tpu.vector_load_idx %arg27[%add3A_192] : memref<1792xf32, #tpu.memory_space<vmem>>[vector<16xi32>], vector<16xf32>,
        %add3A_193 = arith.addf %add3A_191, %gather3A : vector<16xf32>
        %add3A_194 = arith.addi %get3A_181, %broadcast_in_dim3A_3 : vector<16xi32>
        %gather3A_195 = tpu.vector_load_idx %arg28[%add3A_194] : memref<32768xf32, #tpu.memory_space<vmem>>[vector<16xi32>], vector<16xf32>,
        %add3A_196 = arith.addf %add3A_193, %gather3A_195 : vector<16xf32>
        %add3A_197 = arith.addi %get3A_184, %broadcast_in_dim3A_3 : vector<16xi32>
        %gather3A_198 = tpu.vector_load_idx %arg29[%add3A_197] : memref<32768xf32, #tpu.memory_space<vmem>>[vector<16xi32>], vector<16xf32>,
        %add3A_199 = arith.addf %add3A_196, %gather3A_198 : vector<16xf32>
        %swap3A = arith.index_cast %scan3A_176 : i32 to index
        %swap3A_200 = arith.constant 0 : index
        %swap3A_201 = tpu.vector_load %arg24[%swap3A, %swap3A_200] {strides = array<i32>} : memref<16x256xf32, #tpu.memory_space<vmem>>, vector<16xf32>,
        tpu.vector_store %arg24[%swap3A, %swap3A_200], %add3A_199 {strides = array<i32>} : memref<16x256xf32, #tpu.memory_space<vmem>>, vector<16xf32>,
        %get3A_202 = arith.index_cast %scan3A_176 : i32 to index
        %get3A_203 = arith.constant 16 : index
        %get3A_204 = tpu.vector_load %arg24[%get3A_202, %get3A_203] {strides = array<i32>} : memref<16x256xf32, #tpu.memory_space<vmem>>, vector<16xf32>,
        %get3A_205 = arith.index_cast %scan3A_176 : i32 to index
        %get3A_206 = arith.constant 16 : index
        %get3A_207 = tpu.vector_load %arg26[%get3A_205, %get3A_206] {strides = array<i32>} : memref<16x256xf32, #tpu.memory_space<vmem>>, vector<16xf32>,
        %add3A_208 = arith.addf %get3A_204, %get3A_207 : vector<16xf32>
        %add3A_209 = arith.addi %get3A_178, %broadcast_in_dim3A_5 : vector<16xi32>
        %gather3A_210 = tpu.vector_load_idx %arg27[%add3A_209] : memref<1792xf32, #tpu.memory_space<vmem>>[vector<16xi32>], vector<16xf32>,
        %add3A_211 = arith.addf %add3A_208, %gather3A_210 : vector<16xf32>
        %add3A_212 = arith.addi %get3A_181, %broadcast_in_dim3A_5 : vector<16xi32>
        %gather3A_213 = tpu.vector_load_idx %arg28[%add3A_212] : memref<32768xf32, #tpu.memory_space<vmem>>[vector<16xi32>], vector<16xf32>,
        %add3A_214 = arith.addf %add3A_211, %gather3A_213 : vector<16xf32>
        %add3A_215 = arith.addi %get3A_184, %broadcast_in_dim3A_5 : vector<16xi32>
        %gather3A_216 = tpu.vector_load_idx %arg29[%add3A_215] : memref<32768xf32, #tpu.memory_space<vmem>>[vector<16xi32>], vector<16xf32>,
        %add3A_217 = arith.addf %add3A_214, %gather3A_216 : vector<16xf32>
        %swap3A_218 = arith.index_cast %scan3A_176 : i32 to index
        %swap3A_219 = arith.constant 16 : index
        %swap3A_220 = tpu.vector_load %arg24[%swap3A_218, %swap3A_219] {strides = array<i32>} : memref<16x256xf32, #tpu.memory_space<vmem>>, vector<16xf32>,
        tpu.vector_store %arg24[%swap3A_218, %swap3A_219], %add3A_217 {strides = array<i32>} : memref<16x256xf32, #tpu.memory_space<vmem>>, vector<16xf32>,
        %get3A_221 = arith.index_cast %scan3A_176 : i32 to index
        %get3A_222 = arith.constant 32 : index
        %get3A_223 = tpu.vector_load %arg24[%get3A_221, %get3A_222] {strides = array<i32>} : memref<16x256xf32, #tpu.memory_space<vmem>>, vector<16xf32>,
        %get3A_224 = arith.index_cast %scan3A_176 : i32 to index
        %get3A_225 = arith.constant 32 : index
        %get3A_226 = tpu.vector_load %arg26[%get3A_224, %get3A_225] {strides = array<i32>} : memref<16x256xf32, #tpu.memory_space<vmem>>, vector<16xf32>,
        %add3A_227 = arith.addf %get3A_223, %get3A_226 : vector<16xf32>
        %add3A_228 = arith.addi %get3A_178, %broadcast_in_dim3A_7 : vector<16xi32>
        %gather3A_229 = tpu.vector_load_idx %arg27[%add3A_228] : memref<1792xf32, #tpu.memory_space<vmem>>[vector<16xi32>], vector<16xf32>,
        %add3A_230 = arith.addf %add3A_227, %gather3A_229 : vector<16xf32>
        %add3A_231 = arith.addi %get3A_181, %broadcast_in_dim3A_7 : vector<16xi32>
        %gather3A_232 = tpu.vector_load_idx %arg28[%add3A_231] : memref<32768xf32, #tpu.memory_space<vmem>>[vector<16xi32>], vector<16xf32>,
        %add3A_233 = arith.addf %add3A_230, %gather3A_232 : vector<16xf32>
        %add3A_234 = arith.addi %get3A_184, %broadcast_in_dim3A_7 : vector<16xi32>
        %gather3A_235 = tpu.vector_load_idx %arg29[%add3A_234] : memref<32768xf32, #tpu.memory_space<vmem>>[vector<16xi32>], vector<16xf32>,
        %add3A_236 = arith.addf %add3A_233, %gather3A_235 : vector<16xf32>
        %swap3A_237 = arith.index_cast %scan3A_176 : i32 to index
        %swap3A_238 = arith.constant 32 : index
        %swap3A_239 = tpu.vector_load %arg24[%swap3A_237, %swap3A_238] {strides = array<i32>} : memref<16x256xf32, #tpu.memory_space<vmem>>, vector<16xf32>,
        tpu.vector_store %arg24[%swap3A_237, %swap3A_238], %add3A_236 {strides = array<i32>} : memref<16x256xf32, #tpu.memory_space<vmem>>, vector<16xf32>,
        %get3A_240 = arith.index_cast %scan3A_176 : i32 to index
        %get3A_241 = arith.constant 48 : index
        %get3A_242 = tpu.vector_load %arg24[%get3A_240, %get3A_241] {strides = array<i32>} : memref<16x256xf32, #tpu.memory_space<vmem>>, vector<16xf32>,
        %get3A_243 = arith.index_cast %scan3A_176 : i32 to index
        %get3A_244 = arith.constant 48 : index
        %get3A_245 = tpu.vector_load %arg26[%get3A_243, %get3A_244] {strides = array<i32>} : memref<16x256xf32, #tpu.memory_space<vmem>>, vector<16xf32>,
        %add3A_246 = arith.addf %get3A_242, %get3A_245 : vector<16xf32>
        %add3A_247 = arith.addi %get3A_178, %broadcast_in_dim3A_9 : vector<16xi32>
        %gather3A_248 = tpu.vector_load_idx %arg27[%add3A_247] : memref<1792xf32, #tpu.memory_space<vmem>>[vector<16xi32>], vector<16xf32>,
        %add3A_249 = arith.addf %add3A_246, %gather3A_248 : vector<16xf32>
        %add3A_250 = arith.addi %get3A_181, %broadcast_in_dim3A_9 : vector<16xi32>
        %gather3A_251 = tpu.vector_load_idx %arg28[%add3A_250] : memref<32768xf32, #tpu.memory_space<vmem>>[vector<16xi32>], vector<16xf32>,
        %add3A_252 = arith.addf %add3A_249, %gather3A_251 : vector<16xf32>
        %add3A_253 = arith.addi %get3A_184, %broadcast_in_dim3A_9 : vector<16xi32>
        %gather3A_254 = tpu.vector_load_idx %arg29[%add3A_253] : memref<32768xf32, #tpu.memory_space<vmem>>[vector<16xi32>], vector<16xf32>,
        %add3A_255 = arith.addf %add3A_252, %gather3A_254 : vector<16xf32>
        %swap3A_256 = arith.index_cast %scan3A_176 : i32 to index
        %swap3A_257 = arith.constant 48 : index
        %swap3A_258 = tpu.vector_load %arg24[%swap3A_256, %swap3A_257] {strides = array<i32>} : memref<16x256xf32, #tpu.memory_space<vmem>>, vector<16xf32>,
        tpu.vector_store %arg24[%swap3A_256, %swap3A_257], %add3A_255 {strides = array<i32>} : memref<16x256xf32, #tpu.memory_space<vmem>>, vector<16xf32>,
        %get3A_259 = arith.index_cast %scan3A_176 : i32 to index
        %get3A_260 = arith.constant 64 : index
        %get3A_261 = tpu.vector_load %arg24[%get3A_259, %get3A_260] {strides = array<i32>} : memref<16x256xf32, #tpu.memory_space<vmem>>, vector<16xf32>,
        %get3A_262 = arith.index_cast %scan3A_176 : i32 to index
        %get3A_263 = arith.constant 64 : index
        %get3A_264 = tpu.vector_load %arg26[%get3A_262, %get3A_263] {strides = array<i32>} : memref<16x256xf32, #tpu.memory_space<vmem>>, vector<16xf32>,
        %add3A_265 = arith.addf %get3A_261, %get3A_264 : vector<16xf32>
        %add3A_266 = arith.addi %get3A_178, %broadcast_in_dim3A_11 : vector<16xi32>
        %gather3A_267 = tpu.vector_load_idx %arg27[%add3A_266] : memref<1792xf32, #tpu.memory_space<vmem>>[vector<16xi32>], vector<16xf32>,
        %add3A_268 = arith.addf %add3A_265, %gather3A_267 : vector<16xf32>
        %add3A_269 = arith.addi %get3A_181, %broadcast_in_dim3A_11 : vector<16xi32>
        %gather3A_270 = tpu.vector_load_idx %arg28[%add3A_269] : memref<32768xf32, #tpu.memory_space<vmem>>[vector<16xi32>], vector<16xf32>,
        %add3A_271 = arith.addf %add3A_268, %gather3A_270 : vector<16xf32>
        %add3A_272 = arith.addi %get3A_184, %broadcast_in_dim3A_11 : vector<16xi32>
        %gather3A_273 = tpu.vector_load_idx %arg29[%add3A_272] : memref<32768xf32, #tpu.memory_space<vmem>>[vector<16xi32>], vector<16xf32>,
        %add3A_274 = arith.addf %add3A_271, %gather3A_273 : vector<16xf32>
        %swap3A_275 = arith.index_cast %scan3A_176 : i32 to index
        %swap3A_276 = arith.constant 64 : index
        %swap3A_277 = tpu.vector_load %arg24[%swap3A_275, %swap3A_276] {strides = array<i32>} : memref<16x256xf32, #tpu.memory_space<vmem>>, vector<16xf32>,
        tpu.vector_store %arg24[%swap3A_275, %swap3A_276], %add3A_274 {strides = array<i32>} : memref<16x256xf32, #tpu.memory_space<vmem>>, vector<16xf32>,
        %get3A_278 = arith.index_cast %scan3A_176 : i32 to index
        %get3A_279 = arith.constant 80 : index
        %get3A_280 = tpu.vector_load %arg24[%get3A_278, %get3A_279] {strides = array<i32>} : memref<16x256xf32, #tpu.memory_space<vmem>>, vector<16xf32>,
        %get3A_281 = arith.index_cast %scan3A_176 : i32 to index
        %get3A_282 = arith.constant 80 : index
        %get3A_283 = tpu.vector_load %arg26[%get3A_281, %get3A_282] {strides = array<i32>} : memref<16x256xf32, #tpu.memory_space<vmem>>, vector<16xf32>,
        %add3A_284 = arith.addf %get3A_280, %get3A_283 : vector<16xf32>
        %add3A_285 = arith.addi %get3A_178, %broadcast_in_dim3A_13 : vector<16xi32>
        %gather3A_286 = tpu.vector_load_idx %arg27[%add3A_285] : memref<1792xf32, #tpu.memory_space<vmem>>[vector<16xi32>], vector<16xf32>,
        %add3A_287 = arith.addf %add3A_284, %gather3A_286 : vector<16xf32>
        %add3A_288 = arith.addi %get3A_181, %broadcast_in_dim3A_13 : vector<16xi32>
        %gather3A_289 = tpu.vector_load_idx %arg28[%add3A_288] : memref<32768xf32, #tpu.memory_space<vmem>>[vector<16xi32>], vector<16xf32>,
        %add3A_290 = arith.addf %add3A_287, %gather3A_289 : vector<16xf32>
        %add3A_291 = arith.addi %get3A_184, %broadcast_in_dim3A_13 : vector<16xi32>
        %gather3A_292 = tpu.vector_load_idx %arg29[%add3A_291] : memref<32768xf32, #tpu.memory_space<vmem>>[vector<16xi32>], vector<16xf32>,
        %add3A_293 = arith.addf %add3A_290, %gather3A_292 : vector<16xf32>
        %swap3A_294 = arith.index_cast %scan3A_176 : i32 to index
        %swap3A_295 = arith.constant 80 : index
        %swap3A_296 = tpu.vector_load %arg24[%swap3A_294, %swap3A_295] {strides = array<i32>} : memref<16x256xf32, #tpu.memory_space<vmem>>, vector<16xf32>,
        tpu.vector_store %arg24[%swap3A_294, %swap3A_295], %add3A_293 {strides = array<i32>} : memref<16x256xf32, #tpu.memory_space<vmem>>, vector<16xf32>,
        %get3A_297 = arith.index_cast %scan3A_176 : i32 to index
        %get3A_298 = arith.constant 96 : index
        %get3A_299 = tpu.vector_load %arg24[%get3A_297, %get3A_298] {strides = array<i32>} : memref<16x256xf32, #tpu.memory_space<vmem>>, vector<16xf32>,
        %get3A_300 = arith.index_cast %scan3A_176 : i32 to index
        %get3A_301 = arith.constant 96 : index
        %get3A_302 = tpu.vector_load %arg26[%get3A_300, %get3A_301] {strides = array<i32>} : memref<16x256xf32, #tpu.memory_space<vmem>>, vector<16xf32>,
        %add3A_303 = arith.addf %get3A_299, %get3A_302 : vector<16xf32>
        %add3A_304 = arith.addi %get3A_178, %broadcast_in_dim3A_15 : vector<16xi32>
        %gather3A_305 = tpu.vector_load_idx %arg27[%add3A_304] : memref<1792xf32, #tpu.memory_space<vmem>>[vector<16xi32>], vector<16xf32>,
        %add3A_306 = arith.addf %add3A_303, %gather3A_305 : vector<16xf32>
        %add3A_307 = arith.addi %get3A_181, %broadcast_in_dim3A_15 : vector<16xi32>
        %gather3A_308 = tpu.vector_load_idx %arg28[%add3A_307] : memref<32768xf32, #tpu.memory_space<vmem>>[vector<16xi32>], vector<16xf32>,
        %add3A_309 = arith.addf %add3A_306, %gather3A_308 : vector<16xf32>
        %add3A_310 = arith.addi %get3A_184, %broadcast_in_dim3A_15 : vector<16xi32>
        %gather3A_311 = tpu.vector_load_idx %arg29[%add3A_310] : memref<32768xf32, #tpu.memory_space<vmem>>[vector<16xi32>], vector<16xf32>,
        %add3A_312 = arith.addf %add3A_309, %gather3A_311 : vector<16xf32>
        %swap3A_313 = arith.index_cast %scan3A_176 : i32 to index
        %swap3A_314 = arith.constant 96 : index
        %swap3A_315 = tpu.vector_load %arg24[%swap3A_313, %swap3A_314] {strides = array<i32>} : memref<16x256xf32, #tpu.memory_space<vmem>>, vector<16xf32>,
        tpu.vector_store %arg24[%swap3A_313, %swap3A_314], %add3A_312 {strides = array<i32>} : memref<16x256xf32, #tpu.memory_space<vmem>>, vector<16xf32>,
        %get3A_316 = arith.index_cast %scan3A_176 : i32 to index
        %get3A_317 = arith.constant 112 : index
        %get3A_318 = tpu.vector_load %arg24[%get3A_316, %get3A_317] {strides = array<i32>} : memref<16x256xf32, #tpu.memory_space<vmem>>, vector<16xf32>,
        %get3A_319 = arith.index_cast %scan3A_176 : i32 to index
        %get3A_320 = arith.constant 112 : index
        %get3A_321 = tpu.vector_load %arg26[%get3A_319, %get3A_320] {strides = array<i32>} : memref<16x256xf32, #tpu.memory_space<vmem>>, vector<16xf32>,
        %add3A_322 = arith.addf %get3A_318, %get3A_321 : vector<16xf32>
        %add3A_323 = arith.addi %get3A_178, %broadcast_in_dim3A_17 : vector<16xi32>
        %gather3A_324 = tpu.vector_load_idx %arg27[%add3A_323] : memref<1792xf32, #tpu.memory_space<vmem>>[vector<16xi32>], vector<16xf32>,
        %add3A_325 = arith.addf %add3A_322, %gather3A_324 : vector<16xf32>
        %add3A_326 = arith.addi %get3A_181, %broadcast_in_dim3A_17 : vector<16xi32>
        %gather3A_327 = tpu.vector_load_idx %arg28[%add3A_326] : memref<32768xf32, #tpu.memory_space<vmem>>[vector<16xi32>], vector<16xf32>,
        %add3A_328 = arith.addf %add3A_325, %gather3A_327 : vector<16xf32>
        %add3A_329 = arith.addi %get3A_184, %broadcast_in_dim3A_17 : vector<16xi32>
        %gather3A_330 = tpu.vector_load_idx %arg29[%add3A_329] : memref<32768xf32, #tpu.memory_space<vmem>>[vector<16xi32>], vector<16xf32>,
        %add3A_331 = arith.addf %add3A_328, %gather3A_330 : vector<16xf32>
        %swap3A_332 = arith.index_cast %scan3A_176 : i32 to index
        %swap3A_333 = arith.constant 112 : index
        %swap3A_334 = tpu.vector_load %arg24[%swap3A_332, %swap3A_333] {strides = array<i32>} : memref<16x256xf32, #tpu.memory_space<vmem>>, vector<16xf32>,
        tpu.vector_store %arg24[%swap3A_332, %swap3A_333], %add3A_331 {strides = array<i32>} : memref<16x256xf32, #tpu.memory_space<vmem>>, vector<16xf32>,
        %get3A_335 = arith.index_cast %scan3A_176 : i32 to index
        %get3A_336 = arith.constant 128 : index
        %get3A_337 = tpu.vector_load %arg24[%get3A_335, %get3A_336] {strides = array<i32>} : memref<16x256xf32, #tpu.memory_space<vmem>>, vector<16xf32>,
        %get3A_338 = arith.index_cast %scan3A_176 : i32 to index
        %get3A_339 = arith.constant 128 : index
        %get3A_340 = tpu.vector_load %arg26[%get3A_338, %get3A_339] {strides = array<i32>} : memref<16x256xf32, #tpu.memory_space<vmem>>, vector<16xf32>,
        %add3A_341 = arith.addf %get3A_337, %get3A_340 : vector<16xf32>
        %add3A_342 = arith.addi %get3A_178, %broadcast_in_dim3A_19 : vector<16xi32>
        %gather3A_343 = tpu.vector_load_idx %arg27[%add3A_342] : memref<1792xf32, #tpu.memory_space<vmem>>[vector<16xi32>], vector<16xf32>,
        %add3A_344 = arith.addf %add3A_341, %gather3A_343 : vector<16xf32>
        %add3A_345 = arith.addi %get3A_181, %broadcast_in_dim3A_19 : vector<16xi32>
        %gather3A_346 = tpu.vector_load_idx %arg28[%add3A_345] : memref<32768xf32, #tpu.memory_space<vmem>>[vector<16xi32>], vector<16xf32>,
        %add3A_347 = arith.addf %add3A_344, %gather3A_346 : vector<16xf32>
        %add3A_348 = arith.addi %get3A_184, %broadcast_in_dim3A_19 : vector<16xi32>
        %gather3A_349 = tpu.vector_load_idx %arg29[%add3A_348] : memref<32768xf32, #tpu.memory_space<vmem>>[vector<16xi32>], vector<16xf32>,
        %add3A_350 = arith.addf %add3A_347, %gather3A_349 : vector<16xf32>
        %swap3A_351 = arith.index_cast %scan3A_176 : i32 to index
        %swap3A_352 = arith.constant 128 : index
        %swap3A_353 = tpu.vector_load %arg24[%swap3A_351, %swap3A_352] {strides = array<i32>} : memref<16x256xf32, #tpu.memory_space<vmem>>, vector<16xf32>,
        tpu.vector_store %arg24[%swap3A_351, %swap3A_352], %add3A_350 {strides = array<i32>} : memref<16x256xf32, #tpu.memory_space<vmem>>, vector<16xf32>,
        %get3A_354 = arith.index_cast %scan3A_176 : i32 to index
        %get3A_355 = arith.constant 144 : index
        %get3A_356 = tpu.vector_load %arg24[%get3A_354, %get3A_355] {strides = array<i32>} : memref<16x256xf32, #tpu.memory_space<vmem>>, vector<16xf32>,
        %get3A_357 = arith.index_cast %scan3A_176 : i32 to index
        %get3A_358 = arith.constant 144 : index
        %get3A_359 = tpu.vector_load %arg26[%get3A_357, %get3A_358] {strides = array<i32>} : memref<16x256xf32, #tpu.memory_space<vmem>>, vector<16xf32>,
        %add3A_360 = arith.addf %get3A_356, %get3A_359 : vector<16xf32>
        %add3A_361 = arith.addi %get3A_178, %broadcast_in_dim3A_21 : vector<16xi32>
        %gather3A_362 = tpu.vector_load_idx %arg27[%add3A_361] : memref<1792xf32, #tpu.memory_space<vmem>>[vector<16xi32>], vector<16xf32>,
        %add3A_363 = arith.addf %add3A_360, %gather3A_362 : vector<16xf32>
        %add3A_364 = arith.addi %get3A_181, %broadcast_in_dim3A_21 : vector<16xi32>
        %gather3A_365 = tpu.vector_load_idx %arg28[%add3A_364] : memref<32768xf32, #tpu.memory_space<vmem>>[vector<16xi32>], vector<16xf32>,
        %add3A_366 = arith.addf %add3A_363, %gather3A_365 : vector<16xf32>
        %add3A_367 = arith.addi %get3A_184, %broadcast_in_dim3A_21 : vector<16xi32>
        %gather3A_368 = tpu.vector_load_idx %arg29[%add3A_367] : memref<32768xf32, #tpu.memory_space<vmem>>[vector<16xi32>], vector<16xf32>,
        %add3A_369 = arith.addf %add3A_366, %gather3A_368 : vector<16xf32>
        %swap3A_370 = arith.index_cast %scan3A_176 : i32 to index
        %swap3A_371 = arith.constant 144 : index
        %swap3A_372 = tpu.vector_load %arg24[%swap3A_370, %swap3A_371] {strides = array<i32>} : memref<16x256xf32, #tpu.memory_space<vmem>>, vector<16xf32>,
        tpu.vector_store %arg24[%swap3A_370, %swap3A_371], %add3A_369 {strides = array<i32>} : memref<16x256xf32, #tpu.memory_space<vmem>>, vector<16xf32>,
        %get3A_373 = arith.index_cast %scan3A_176 : i32 to index
        %get3A_374 = arith.constant 160 : index
        %get3A_375 = tpu.vector_load %arg24[%get3A_373, %get3A_374] {strides = array<i32>} : memref<16x256xf32, #tpu.memory_space<vmem>>, vector<16xf32>,
        %get3A_376 = arith.index_cast %scan3A_176 : i32 to index
        %get3A_377 = arith.constant 160 : index
        %get3A_378 = tpu.vector_load %arg26[%get3A_376, %get3A_377] {strides = array<i32>} : memref<16x256xf32, #tpu.memory_space<vmem>>, vector<16xf32>,
        %add3A_379 = arith.addf %get3A_375, %get3A_378 : vector<16xf32>
        %add3A_380 = arith.addi %get3A_178, %broadcast_in_dim3A_23 : vector<16xi32>
        %gather3A_381 = tpu.vector_load_idx %arg27[%add3A_380] : memref<1792xf32, #tpu.memory_space<vmem>>[vector<16xi32>], vector<16xf32>,
        %add3A_382 = arith.addf %add3A_379, %gather3A_381 : vector<16xf32>
        %add3A_383 = arith.addi %get3A_181, %broadcast_in_dim3A_23 : vector<16xi32>
        %gather3A_384 = tpu.vector_load_idx %arg28[%add3A_383] : memref<32768xf32, #tpu.memory_space<vmem>>[vector<16xi32>], vector<16xf32>,
        %add3A_385 = arith.addf %add3A_382, %gather3A_384 : vector<16xf32>
        %add3A_386 = arith.addi %get3A_184, %broadcast_in_dim3A_23 : vector<16xi32>
        %gather3A_387 = tpu.vector_load_idx %arg29[%add3A_386] : memref<32768xf32, #tpu.memory_space<vmem>>[vector<16xi32>], vector<16xf32>,
        %add3A_388 = arith.addf %add3A_385, %gather3A_387 : vector<16xf32>
        %swap3A_389 = arith.index_cast %scan3A_176 : i32 to index
        %swap3A_390 = arith.constant 160 : index
        %swap3A_391 = tpu.vector_load %arg24[%swap3A_389, %swap3A_390] {strides = array<i32>} : memref<16x256xf32, #tpu.memory_space<vmem>>, vector<16xf32>,
        tpu.vector_store %arg24[%swap3A_389, %swap3A_390], %add3A_388 {strides = array<i32>} : memref<16x256xf32, #tpu.memory_space<vmem>>, vector<16xf32>,
        %get3A_392 = arith.index_cast %scan3A_176 : i32 to index
        %get3A_393 = arith.constant 176 : index
        %get3A_394 = tpu.vector_load %arg24[%get3A_392, %get3A_393] {strides = array<i32>} : memref<16x256xf32, #tpu.memory_space<vmem>>, vector<16xf32>,
        %get3A_395 = arith.index_cast %scan3A_176 : i32 to index
        %get3A_396 = arith.constant 176 : index
        %get3A_397 = tpu.vector_load %arg26[%get3A_395, %get3A_396] {strides = array<i32>} : memref<16x256xf32, #tpu.memory_space<vmem>>, vector<16xf32>,
        %add3A_398 = arith.addf %get3A_394, %get3A_397 : vector<16xf32>
        %add3A_399 = arith.addi %get3A_178, %broadcast_in_dim3A_25 : vector<16xi32>
        %gather3A_400 = tpu.vector_load_idx %arg27[%add3A_399] : memref<1792xf32, #tpu.memory_space<vmem>>[vector<16xi32>], vector<16xf32>,
        %add3A_401 = arith.addf %add3A_398, %gather3A_400 : vector<16xf32>
        %add3A_402 = arith.addi %get3A_181, %broadcast_in_dim3A_25 : vector<16xi32>
        %gather3A_403 = tpu.vector_load_idx %arg28[%add3A_402] : memref<32768xf32, #tpu.memory_space<vmem>>[vector<16xi32>], vector<16xf32>,
        %add3A_404 = arith.addf %add3A_401, %gather3A_403 : vector<16xf32>
        %add3A_405 = arith.addi %get3A_184, %broadcast_in_dim3A_25 : vector<16xi32>
        %gather3A_406 = tpu.vector_load_idx %arg29[%add3A_405] : memref<32768xf32, #tpu.memory_space<vmem>>[vector<16xi32>], vector<16xf32>,
        %add3A_407 = arith.addf %add3A_404, %gather3A_406 : vector<16xf32>
        %swap3A_408 = arith.index_cast %scan3A_176 : i32 to index
        %swap3A_409 = arith.constant 176 : index
        %swap3A_410 = tpu.vector_load %arg24[%swap3A_408, %swap3A_409] {strides = array<i32>} : memref<16x256xf32, #tpu.memory_space<vmem>>, vector<16xf32>,
        tpu.vector_store %arg24[%swap3A_408, %swap3A_409], %add3A_407 {strides = array<i32>} : memref<16x256xf32, #tpu.memory_space<vmem>>, vector<16xf32>,
        %get3A_411 = arith.index_cast %scan3A_176 : i32 to index
        %get3A_412 = arith.constant 192 : index
        %get3A_413 = tpu.vector_load %arg24[%get3A_411, %get3A_412] {strides = array<i32>} : memref<16x256xf32, #tpu.memory_space<vmem>>, vector<16xf32>,
        %get3A_414 = arith.index_cast %scan3A_176 : i32 to index
        %get3A_415 = arith.constant 192 : index
        %get3A_416 = tpu.vector_load %arg26[%get3A_414, %get3A_415] {strides = array<i32>} : memref<16x256xf32, #tpu.memory_space<vmem>>, vector<16xf32>,
        %add3A_417 = arith.addf %get3A_413, %get3A_416 : vector<16xf32>
        %add3A_418 = arith.addi %get3A_178, %broadcast_in_dim3A_27 : vector<16xi32>
        %gather3A_419 = tpu.vector_load_idx %arg27[%add3A_418] : memref<1792xf32, #tpu.memory_space<vmem>>[vector<16xi32>], vector<16xf32>,
        %add3A_420 = arith.addf %add3A_417, %gather3A_419 : vector<16xf32>
        %add3A_421 = arith.addi %get3A_181, %broadcast_in_dim3A_27 : vector<16xi32>
        %gather3A_422 = tpu.vector_load_idx %arg28[%add3A_421] : memref<32768xf32, #tpu.memory_space<vmem>>[vector<16xi32>], vector<16xf32>,
        %add3A_423 = arith.addf %add3A_420, %gather3A_422 : vector<16xf32>
        %add3A_424 = arith.addi %get3A_184, %broadcast_in_dim3A_27 : vector<16xi32>
        %gather3A_425 = tpu.vector_load_idx %arg29[%add3A_424] : memref<32768xf32, #tpu.memory_space<vmem>>[vector<16xi32>], vector<16xf32>,
        %add3A_426 = arith.addf %add3A_423, %gather3A_425 : vector<16xf32>
        %swap3A_427 = arith.index_cast %scan3A_176 : i32 to index
        %swap3A_428 = arith.constant 192 : index
        %swap3A_429 = tpu.vector_load %arg24[%swap3A_427, %swap3A_428] {strides = array<i32>} : memref<16x256xf32, #tpu.memory_space<vmem>>, vector<16xf32>,
        tpu.vector_store %arg24[%swap3A_427, %swap3A_428], %add3A_426 {strides = array<i32>} : memref<16x256xf32, #tpu.memory_space<vmem>>, vector<16xf32>,
        %get3A_430 = arith.index_cast %scan3A_176 : i32 to index
        %get3A_431 = arith.constant 208 : index
        %get3A_432 = tpu.vector_load %arg24[%get3A_430, %get3A_431] {strides = array<i32>} : memref<16x256xf32, #tpu.memory_space<vmem>>, vector<16xf32>,
        %get3A_433 = arith.index_cast %scan3A_176 : i32 to index
        %get3A_434 = arith.constant 208 : index
        %get3A_435 = tpu.vector_load %arg26[%get3A_433, %get3A_434] {strides = array<i32>} : memref<16x256xf32, #tpu.memory_space<vmem>>, vector<16xf32>,
        %add3A_436 = arith.addf %get3A_432, %get3A_435 : vector<16xf32>
        %add3A_437 = arith.addi %get3A_178, %broadcast_in_dim3A_29 : vector<16xi32>
        %gather3A_438 = tpu.vector_load_idx %arg27[%add3A_437] : memref<1792xf32, #tpu.memory_space<vmem>>[vector<16xi32>], vector<16xf32>,
        %add3A_439 = arith.addf %add3A_436, %gather3A_438 : vector<16xf32>
        %add3A_440 = arith.addi %get3A_181, %broadcast_in_dim3A_29 : vector<16xi32>
        %gather3A_441 = tpu.vector_load_idx %arg28[%add3A_440] : memref<32768xf32, #tpu.memory_space<vmem>>[vector<16xi32>], vector<16xf32>,
        %add3A_442 = arith.addf %add3A_439, %gather3A_441 : vector<16xf32>
        %add3A_443 = arith.addi %get3A_184, %broadcast_in_dim3A_29 : vector<16xi32>
        %gather3A_444 = tpu.vector_load_idx %arg29[%add3A_443] : memref<32768xf32, #tpu.memory_space<vmem>>[vector<16xi32>], vector<16xf32>,
        %add3A_445 = arith.addf %add3A_442, %gather3A_444 : vector<16xf32>
        %swap3A_446 = arith.index_cast %scan3A_176 : i32 to index
        %swap3A_447 = arith.constant 208 : index
        %swap3A_448 = tpu.vector_load %arg24[%swap3A_446, %swap3A_447] {strides = array<i32>} : memref<16x256xf32, #tpu.memory_space<vmem>>, vector<16xf32>,
        tpu.vector_store %arg24[%swap3A_446, %swap3A_447], %add3A_445 {strides = array<i32>} : memref<16x256xf32, #tpu.memory_space<vmem>>, vector<16xf32>,
        %get3A_449 = arith.index_cast %scan3A_176 : i32 to index
        %get3A_450 = arith.constant 224 : index
        %get3A_451 = tpu.vector_load %arg24[%get3A_449, %get3A_450] {strides = array<i32>} : memref<16x256xf32, #tpu.memory_space<vmem>>, vector<16xf32>,
        %get3A_452 = arith.index_cast %scan3A_176 : i32 to index
        %get3A_453 = arith.constant 224 : index
        %get3A_454 = tpu.vector_load %arg26[%get3A_452, %get3A_453] {strides = array<i32>} : memref<16x256xf32, #tpu.memory_space<vmem>>, vector<16xf32>,
        %add3A_455 = arith.addf %get3A_451, %get3A_454 : vector<16xf32>
        %add3A_456 = arith.addi %get3A_178, %broadcast_in_dim3A_31 : vector<16xi32>
        %gather3A_457 = tpu.vector_load_idx %arg27[%add3A_456] : memref<1792xf32, #tpu.memory_space<vmem>>[vector<16xi32>], vector<16xf32>,
        %add3A_458 = arith.addf %add3A_455, %gather3A_457 : vector<16xf32>
        %add3A_459 = arith.addi %get3A_181, %broadcast_in_dim3A_31 : vector<16xi32>
        %gather3A_460 = tpu.vector_load_idx %arg28[%add3A_459] : memref<32768xf32, #tpu.memory_space<vmem>>[vector<16xi32>], vector<16xf32>,
        %add3A_461 = arith.addf %add3A_458, %gather3A_460 : vector<16xf32>
        %add3A_462 = arith.addi %get3A_184, %broadcast_in_dim3A_31 : vector<16xi32>
        %gather3A_463 = tpu.vector_load_idx %arg29[%add3A_462] : memref<32768xf32, #tpu.memory_space<vmem>>[vector<16xi32>], vector<16xf32>,
        %add3A_464 = arith.addf %add3A_461, %gather3A_463 : vector<16xf32>
        %swap3A_465 = arith.index_cast %scan3A_176 : i32 to index
        %swap3A_466 = arith.constant 224 : index
        %swap3A_467 = tpu.vector_load %arg24[%swap3A_465, %swap3A_466] {strides = array<i32>} : memref<16x256xf32, #tpu.memory_space<vmem>>, vector<16xf32>,
        tpu.vector_store %arg24[%swap3A_465, %swap3A_466], %add3A_464 {strides = array<i32>} : memref<16x256xf32, #tpu.memory_space<vmem>>, vector<16xf32>,
        %get3A_468 = arith.index_cast %scan3A_176 : i32 to index
        %get3A_469 = arith.constant 240 : index
        %get3A_470 = tpu.vector_load %arg24[%get3A_468, %get3A_469] {strides = array<i32>} : memref<16x256xf32, #tpu.memory_space<vmem>>, vector<16xf32>,
        %get3A_471 = arith.index_cast %scan3A_176 : i32 to index
        %get3A_472 = arith.constant 240 : index
        %get3A_473 = tpu.vector_load %arg26[%get3A_471, %get3A_472] {strides = array<i32>} : memref<16x256xf32, #tpu.memory_space<vmem>>, vector<16xf32>,
        %add3A_474 = arith.addf %get3A_470, %get3A_473 : vector<16xf32>
        %add3A_475 = arith.addi %get3A_178, %broadcast_in_dim3A_33 : vector<16xi32>
        %gather3A_476 = tpu.vector_load_idx %arg27[%add3A_475] : memref<1792xf32, #tpu.memory_space<vmem>>[vector<16xi32>], vector<16xf32>,
        %add3A_477 = arith.addf %add3A_474, %gather3A_476 : vector<16xf32>
        %add3A_478 = arith.addi %get3A_181, %broadcast_in_dim3A_33 : vector<16xi32>
        %gather3A_479 = tpu.vector_load_idx %arg28[%add3A_478] : memref<32768xf32, #tpu.memory_space<vmem>>[vector<16xi32>], vector<16xf32>,
        %add3A_480 = arith.addf %add3A_477, %gather3A_479 : vector<16xf32>
        %add3A_481 = arith.addi %get3A_184, %broadcast_in_dim3A_33 : vector<16xi32>
        %gather3A_482 = tpu.vector_load_idx %arg29[%add3A_481] : memref<32768xf32, #tpu.memory_space<vmem>>[vector<16xi32>], vector<16xf32>,
        %add3A_483 = arith.addf %add3A_480, %gather3A_482 : vector<16xf32>
        %swap3A_484 = arith.index_cast %scan3A_176 : i32 to index
        %swap3A_485 = arith.constant 240 : index
        %swap3A_486 = tpu.vector_load %arg24[%swap3A_484, %swap3A_485] {strides = array<i32>} : memref<16x256xf32, #tpu.memory_space<vmem>>, vector<16xf32>,
        tpu.vector_store %arg24[%swap3A_484, %swap3A_485], %add3A_483 {strides = array<i32>} : memref<16x256xf32, #tpu.memory_space<vmem>>, vector<16xf32>,
      }
      %scan3A_161 = arith.constant 16 : i32
      %mul3A_162 = arith.constant 16 : i32
      %mul3A_163 = arith.muli %add3A_142, %mul3A_162 : i32
      %add3A_164 = arith.addi %mul3A_2, %mul3A_163 : i32
      %dma_start3A_165 = arith.constant 0 : i32
      %dma_start3A_166 = tpu.memref_slice %arg12[%add3A_164, %dma_start3A_165] : memref<32768x256xf32, #tpu.memory_space<hbm>> -> memref<16x256xf32, #tpu.memory_space<hbm>>
      %dma_start3A_167 = arith.constant 0 : i32
      %dma_start3A_168 = tpu.memref_slice %arg12[%add3A_164, %dma_start3A_167] : memref<32768x256xf32, #tpu.memory_space<hbm>> -> memref<16x256xf32, #tpu.memory_space<hbm>>
      tpu.enqueue_dma source(%arg24 : memref<16x256xf32, #tpu.memory_space<vmem>>) target(%dma_start3A_168 : memref<16x256xf32, #tpu.memory_space<hbm>>) target_semaphore(%arg35 : memref<!tpu.dma_semaphore, #tpu.memory_space<semaphore_mem>>)
      %add3A_169 = arith.constant 2 : i32
      %add3A_170 = arith.addi %add3A_142, %add3A_169 : i32
      %lt3A_171 = arith.constant 64 : i32
      %lt3A_172 = arith.cmpi slt, %add3A_170, %lt3A_171 : i32
      %convert_element_type3A_173 = arith.extui %lt3A_172 : i1 to i32
      %cond3A_174 = arith.constant 0 : i32
      %cond3A_175 = arith.cmpi ne, %convert_element_type3A_173, %cond3A_174 : i32
      scf.if %cond3A_175 {
        %add3A_176 = arith.constant 2 : i32
        %add3A_177 = arith.addi %add3A_142, %add3A_176 : i32
        %mul3A_178 = arith.constant 16 : i32
        %mul3A_179 = arith.muli %add3A_177, %mul3A_178 : i32
        %add3A_180 = arith.addi %mul3A_2, %mul3A_179 : i32
        %dma_start3A_181 = tpu.memref_slice %arg7[%add3A_180] : memref<32768xi32, #tpu.memory_space<hbm>> -> memref<16xi32, #tpu.memory_space<hbm>>
        %dma_start3A_182 = tpu.memref_slice %arg7[%add3A_180] : memref<32768xi32, #tpu.memory_space<hbm>> -> memref<16xi32, #tpu.memory_space<hbm>>
        tpu.enqueue_dma source(%dma_start3A_182 : memref<16xi32, #tpu.memory_space<hbm>>) target(%arg14 : memref<16xi32, #tpu.memory_space<vmem>>) target_semaphore(%arg31 : memref<!tpu.dma_semaphore, #tpu.memory_space<semaphore_mem>>)
        %dma_start3A_183 = tpu.memref_slice %arg11[%add3A_180] : memref<32768xi32, #tpu.memory_space<hbm>> -> memref<16xi32, #tpu.memory_space<hbm>>
        %dma_start3A_184 = tpu.memref_slice %arg11[%add3A_180] : memref<32768xi32, #tpu.memory_space<hbm>> -> memref<16xi32, #tpu.memory_space<hbm>>
        tpu.enqueue_dma source(%dma_start3A_184 : memref<16xi32, #tpu.memory_space<hbm>>) target(%arg16 : memref<16xi32, #tpu.memory_space<vmem>>) target_semaphore(%arg31 : memref<!tpu.dma_semaphore, #tpu.memory_space<semaphore_mem>>)
        %dma_start3A_185 = arith.constant 0 : i32
        %dma_start3A_186 = tpu.memref_slice %arg8[%add3A_180, %dma_start3A_185] : memref<32768x16xi32, #tpu.memory_space<hbm>> -> memref<16x16xi32, #tpu.memory_space<hbm>>
        %dma_start3A_187 = arith.constant 0 : i32
        %dma_start3A_188 = tpu.memref_slice %arg8[%add3A_180, %dma_start3A_187] : memref<32768x16xi32, #tpu.memory_space<hbm>> -> memref<16x16xi32, #tpu.memory_space<hbm>>
        tpu.enqueue_dma source(%dma_start3A_188 : memref<16x16xi32, #tpu.memory_space<hbm>>) target(%arg18 : memref<16x16xi32, #tpu.memory_space<vmem>>) target_semaphore(%arg31 : memref<!tpu.dma_semaphore, #tpu.memory_space<semaphore_mem>>)
        %dma_start3A_189 = arith.constant 0 : i32
        %dma_start3A_190 = tpu.memref_slice %arg9[%add3A_180, %dma_start3A_189] : memref<32768x16xi32, #tpu.memory_space<hbm>> -> memref<16x16xi32, #tpu.memory_space<hbm>>
        %dma_start3A_191 = arith.constant 0 : i32
        %dma_start3A_192 = tpu.memref_slice %arg9[%add3A_180, %dma_start3A_191] : memref<32768x16xi32, #tpu.memory_space<hbm>> -> memref<16x16xi32, #tpu.memory_space<hbm>>
        tpu.enqueue_dma source(%dma_start3A_192 : memref<16x16xi32, #tpu.memory_space<hbm>>) target(%arg20 : memref<16x16xi32, #tpu.memory_space<vmem>>) target_semaphore(%arg31 : memref<!tpu.dma_semaphore, #tpu.memory_space<semaphore_mem>>)
        %dma_start3A_193 = arith.constant 0 : i32
        %dma_start3A_194 = tpu.memref_slice %arg10[%add3A_180, %dma_start3A_193] : memref<32768x16xi32, #tpu.memory_space<hbm>> -> memref<16x16xi32, #tpu.memory_space<hbm>>
        %dma_start3A_195 = arith.constant 0 : i32
        %dma_start3A_196 = tpu.memref_slice %arg10[%add3A_180, %dma_start3A_195] : memref<32768x16xi32, #tpu.memory_space<hbm>> -> memref<16x16xi32, #tpu.memory_space<hbm>>
        tpu.enqueue_dma source(%dma_start3A_196 : memref<16x16xi32, #tpu.memory_space<hbm>>) target(%arg22 : memref<16x16xi32, #tpu.memory_space<vmem>>) target_semaphore(%arg31 : memref<!tpu.dma_semaphore, #tpu.memory_space<semaphore_mem>>)
      } else {
      }
    }
    %scan3A_95 = arith.constant 32 : i32
    %dma_wait3A_96 = arith.constant 0 : i32
    %dma_wait3A_97 = tpu.memref_slice %arg12[%mul3A_2, %dma_wait3A_96] : memref<32768x256xf32, #tpu.memory_space<hbm>> -> memref<16x256xf32, #tpu.memory_space<hbm>>
    %dma_wait3A_98 = arith.constant 0 : i32
    %dma_wait3A_99 = tpu.memref_slice %arg12[%mul3A_2, %dma_wait3A_98] : memref<32768x256xf32, #tpu.memory_space<hbm>> -> memref<16x256xf32, #tpu.memory_space<hbm>>
    tpu.wait_dma2 semaphore(%arg34 : memref<!tpu.dma_semaphore, #tpu.memory_space<semaphore_mem>>) src(%arg23 : memref<16x256xf32, #tpu.memory_space<vmem>>) dst(%dma_wait3A_99 : memref<16x256xf32, #tpu.memory_space<hbm>>)
    %dma_wait3A_100 = arith.constant 0 : i32
    %dma_wait3A_101 = tpu.memref_slice %arg12[%mul3A_2, %dma_wait3A_100] : memref<32768x256xf32, #tpu.memory_space<hbm>> -> memref<16x256xf32, #tpu.memory_space<hbm>>
    %dma_wait3A_102 = arith.constant 0 : i32
    %dma_wait3A_103 = tpu.memref_slice %arg12[%mul3A_2, %dma_wait3A_102] : memref<32768x256xf32, #tpu.memory_space<hbm>> -> memref<16x256xf32, #tpu.memory_space<hbm>>
    tpu.wait_dma2 semaphore(%arg35 : memref<!tpu.dma_semaphore, #tpu.memory_space<semaphore_mem>>) src(%arg24 : memref<16x256xf32, #tpu.memory_space<vmem>>) dst(%dma_wait3A_103 : memref<16x256xf32, #tpu.memory_space<hbm>>)
    return
  }
}

module attributes {stable_mosaic.version = 14 : i64} {
  func.func @_tc_mlp_body(%arg0: i32, %arg1: memref<512x2048xf32, #tpu.memory_space<vmem>>, %arg2: memref<1x2048xf32, #tpu.memory_space<vmem>>, %arg3: memref<1x2048xf32, #tpu.memory_space<vmem>>, %arg4: memref<2048x1024xf32, #tpu.memory_space<vmem>>, %arg5: memref<1x1024xf32, #tpu.memory_space<vmem>>, %arg6: memref<512x1024xf32, #tpu.memory_space<vmem>>) attributes {dimension_semantics = [#tpu.dimension_semantics<arbitrary>], iteration_bounds = array<i64: 8>, scalar_prefetch = 0 : i64, scratch_operands = 0 : i64, tpu.core_type = #tpu.core_type<tc>, window_params = [{transform_indices = @transform_0, window_bounds = array<i64: 512, 2048>}, {pipeline_mode = #tpu.pipeline_mode<synchronous>, transform_indices = @transform_1, window_bounds = array<i64: 1, 2048>}, {pipeline_mode = #tpu.pipeline_mode<synchronous>, transform_indices = @transform_2, window_bounds = array<i64: 1, 2048>}, {pipeline_mode = #tpu.pipeline_mode<synchronous>, transform_indices = @transform_3, window_bounds = array<i64: 2048, 1024>}, {pipeline_mode = #tpu.pipeline_mode<synchronous>, transform_indices = @transform_4, window_bounds = array<i64: 1, 1024>}, {transform_indices = @transform_5, window_bounds = array<i64: 512, 1024>}]} {
    %get3A = arith.constant 0 : index
    %get3A_0 = arith.constant 0 : index
    %get3A_1 = vector.load %arg1[%get3A, %get3A_0] : memref<512x2048xf32, #tpu.memory_space<vmem>>, vector<512x2048xf32>
    %reduce_sum3A = arith.constant dense<0.000000e+00> : vector<512xf32>
    %reduce_sum3A_2 = vector.multi_reduction <add>, %get3A_1, %reduce_sum3A [1] : vector<512x2048xf32> to vector<512xf32>
    %broadcast_in_dim3A = vector.shape_cast %reduce_sum3A_2 : vector<512xf32> to vector<512x1xf32>
    %div3A = arith.constant 2.048000e+03 : f32
    %div3A_3 = vector.broadcast %div3A : f32 to vector<512x1xf32>
    %div3A_4 = arith.divf %broadcast_in_dim3A, %div3A_3 : vector<512x1xf32>
    %sub3A = vector.broadcast %div3A_4 : vector<512x1xf32> to vector<512x2048xf32>
    %sub3A_5 = arith.subf %get3A_1, %sub3A : vector<512x2048xf32>
    %mul3A = arith.mulf %sub3A_5, %sub3A_5 : vector<512x2048xf32>
    %reduce_sum3A_6 = arith.constant dense<0.000000e+00> : vector<512xf32>
    %reduce_sum3A_7 = vector.multi_reduction <add>, %mul3A, %reduce_sum3A_6 [1] : vector<512x2048xf32> to vector<512xf32>
    %broadcast_in_dim3A_8 = vector.shape_cast %reduce_sum3A_7 : vector<512xf32> to vector<512x1xf32>
    %div3A_9 = arith.constant 2.048000e+03 : f32
    %div3A_10 = vector.broadcast %div3A_9 : f32 to vector<512x1xf32>
    %div3A_11 = arith.divf %broadcast_in_dim3A_8, %div3A_10 : vector<512x1xf32>
    %add3A = arith.constant 9.99999974E-6 : f32
    %add3A_12 = vector.broadcast %add3A : f32 to vector<512x1xf32>
    %add3A_13 = arith.addf %div3A_11, %add3A_12 : vector<512x1xf32>
    %rsqrt3A = math.rsqrt %add3A_13 : vector<512x1xf32>
    %mul3A_14 = vector.broadcast %rsqrt3A : vector<512x1xf32> to vector<512x2048xf32>
    %mul3A_15 = arith.mulf %sub3A_5, %mul3A_14 : vector<512x2048xf32>
    %get3A_16 = arith.constant 0 : index
    %get3A_17 = arith.constant 0 : index
    %get3A_18 = vector.load %arg2[%get3A_16, %get3A_17] : memref<1x2048xf32, #tpu.memory_space<vmem>>, vector<1x2048xf32>
    %mul3A_19 = vector.broadcast %get3A_18 : vector<1x2048xf32> to vector<512x2048xf32>
    %mul3A_20 = arith.mulf %mul3A_15, %mul3A_19 : vector<512x2048xf32>
    %get3A_21 = arith.constant 0 : index
    %get3A_22 = arith.constant 0 : index
    %get3A_23 = vector.load %arg3[%get3A_21, %get3A_22] : memref<1x2048xf32, #tpu.memory_space<vmem>>, vector<1x2048xf32>
    %add3A_24 = vector.broadcast %get3A_23 : vector<1x2048xf32> to vector<512x2048xf32>
    %add3A_25 = arith.addf %mul3A_20, %add3A_24 : vector<512x2048xf32>
    %get3A_26 = arith.constant 0 : index
    %get3A_27 = arith.constant 0 : index
    %get3A_28 = vector.load %arg4[%get3A_26, %get3A_27] : memref<2048x1024xf32, #tpu.memory_space<vmem>>, vector<2048x1024xf32>
    %dot_general3A = arith.constant dense<0.000000e+00> : vector<512x1024xf32>
    %dot_general3A_29 = tpu.matmul %add3A_25, %get3A_28, %dot_general3A {dimension_numbers = #tpu.dot_dimension_numbers<[1], [0], [0], [1], [0, 0, 1, 1], [], []>, transpose_lhs_hint = false} : vector<512x2048xf32>, vector<2048x1024xf32>, vector<512x1024xf32> -> vector<512x1024xf32>
    %get3A_30 = arith.constant 0 : index
    %get3A_31 = arith.constant 0 : index
    %get3A_32 = vector.load %arg5[%get3A_30, %get3A_31] : memref<1x1024xf32, #tpu.memory_space<vmem>>, vector<1x1024xf32>
    %add3A_33 = vector.broadcast %get3A_32 : vector<1x1024xf32> to vector<512x1024xf32>
    %add3A_34 = arith.addf %dot_general3A_29, %add3A_33 : vector<512x1024xf32>
    %mul3A_35 = arith.constant 5.000000e-01 : f32
    %mul3A_36 = vector.broadcast %mul3A_35 : f32 to vector<512x1024xf32>
    %mul3A_37 = arith.mulf %mul3A_36, %add3A_34 : vector<512x1024xf32>
    %mul3A_38 = arith.constant 0.707106769 : f32
    %mul3A_39 = vector.broadcast %mul3A_38 : f32 to vector<512x1024xf32>
    %mul3A_40 = arith.mulf %add3A_34, %mul3A_39 : vector<512x1024xf32>
    %erf3A = math.erf %mul3A_40 : vector<512x1024xf32>
    %add3A_41 = arith.constant 1.000000e+00 : f32
    %add3A_42 = vector.broadcast %add3A_41 : f32 to vector<512x1024xf32>
    %add3A_43 = arith.addf %add3A_42, %erf3A : vector<512x1024xf32>
    %mul3A_44 = arith.mulf %mul3A_37, %add3A_43 : vector<512x1024xf32>
    %swap3A = arith.constant 0 : index
    %swap3A_45 = arith.constant 0 : index
    %swap3A_46 = vector.load %arg6[%swap3A, %swap3A_45] : memref<512x1024xf32, #tpu.memory_space<vmem>>, vector<512x1024xf32>
    tpu.vector_store %arg6[%swap3A, %swap3A_45], %mul3A_44 {strides = array<i32>} : memref<512x1024xf32, #tpu.memory_space<vmem>>, vector<512x1024xf32>,
    return
  }
  func.func @transform_0(%arg0: i32) -> (i32, i32) {
    %c0_i32 = arith.constant 0 : i32
    %c0_i32_0 = arith.constant 0 : i32
    return %arg0, %c0_i32 : i32, i32
  }
  func.func @transform_1(%arg0: i32) -> (i32, i32) {
    %c0_i32 = arith.constant 0 : i32
    %c0_i32_0 = arith.constant 0 : i32
    %c0_i32_1 = arith.constant 0 : i32
    return %c0_i32, %c0_i32_0 : i32, i32
  }
  func.func @transform_2(%arg0: i32) -> (i32, i32) {
    %c0_i32 = arith.constant 0 : i32
    %c0_i32_0 = arith.constant 0 : i32
    %c0_i32_1 = arith.constant 0 : i32
    return %c0_i32, %c0_i32_0 : i32, i32
  }
  func.func @transform_3(%arg0: i32) -> (i32, i32) {
    %c0_i32 = arith.constant 0 : i32
    %c0_i32_0 = arith.constant 0 : i32
    %c0_i32_1 = arith.constant 0 : i32
    return %c0_i32, %c0_i32_0 : i32, i32
  }
  func.func @transform_4(%arg0: i32) -> (i32, i32) {
    %c0_i32 = arith.constant 0 : i32
    %c0_i32_0 = arith.constant 0 : i32
    %c0_i32_1 = arith.constant 0 : i32
    return %c0_i32, %c0_i32_0 : i32, i32
  }
  func.func @transform_5(%arg0: i32) -> (i32, i32) {
    %c0_i32 = arith.constant 0 : i32
    %c0_i32_0 = arith.constant 0 : i32
    return %arg0, %c0_i32 : i32, i32
  }
}

</mosaic_0001>

<sc_bundles>
// kernel: kernel.4.cloned.1.call-start
scs
__scs_entry_jumppad:
0x0: {  	(pc) =	sbr.rel $0x88, $3  }
0x1: {  	(tag) =	ssettag $0x0;
	lr =	simm.s32 $0x1  }
0x2: {  	[smem:$0x3F95] =	sst lr;
	_ =	strace $0xD0000000  }
0x3: {  	_ = 	snop  }
0x4: {  	_ = 	snop  }
0x5: {  	_ = 	snop  }
0x6: {  	_ = 	snop  }
0x7: {  	_ = 	snop  }
__scs_overlays_trampoline_lowered:
0x8: {  	[smem:$0x3FA4] =	sst s0  }
0x9: {  	[smem:$0x3FA5] =	sst s1  }
0xa: {  	[smem:$0x3FA6] =	sst s2  }
0xb: {  	[smem:$0x3FA7] =	sst s3  }
0xc: {  	[smem:$0x3FA8] =	sst s4  }
0xd: {  	[smem:$0x3FA9] =	sst s5  }
0xe: {  	[smem:$0x3FAA] =	sst s6  }
0xf: {  	[smem:$0x3FAB] =	sst s7  }
0x10: {  	[smem:$0x3FAC] =	sst s8  }
0x11: {  	[smem:$0x3FAD] =	sst s9;
	s0 =	simm.s32 @!p0 $0x0  }
0x12: {  	s1 =	sld [smem:$0x3F93];
	s0 =	simm.s32 @p0 $0x1  }
0x13: {  	[smem:$0x3FAE] =	sst s0;
	s0 =	simm.s32 @!p1 $0x0  }
0x14: {  	s2 =	sld [smem:$0x3F92];
	s0 =	simm.s32 @p1 $0x1  }
0x15: {  	[smem:$0x3FAF] =	sst s0;
	s0 =	simm.s32 @!p2 $0x0  }
0x16: {  	s3 =	sld [smem:$0x3FDB];
	s0 =	simm.s32 @p2 $0x1  }
0x17: {  	s4 =	simm.s32 $0x1BF5;
	[smem:$0x3FB1] =	sst s0  }
0x18: {  	s0 =	sld [smem:$0x3F94];
	_ =	swait.ge [sflag:s4], $0x0  }
0x19: {  	s7 =	sld [smem:$0x3F95]  }
0x1a: {  	s8 =	sadd.s32 $0xFFFFE003, lr  }
0x1b: {  	s9 =	sadd.s32 $0xFFFFFEF7, lr;
	s5 =	simm.s32 $0xFFFFFFFF;
	p2 =	slt.u32 s8, $0xFFFFF086  }
0x1c: {  	p1 =	slt.u32 s9, $0xF7A;
	s5 =	simm.s32 @!p2 $0x0  }
0x1d: {  	s5 =	simm.s32 @p1 $0x1;
	p0 =	seq.s32 s7, s2  }
0x1e: {  	s7 =	smul.u32 @!p0 $0xF7A, s2;
	p2 =	seq.s32 @!p0 s5, $0x0  }
0x1f: {  	s9 =	smul.u32 $0xF7A, s1;
	s8 =	simm.s32 @!p0 $0x1BF5;
	p2 =	por !p2, p0  }
0x20: {  	[sflag:s8] =	ssyncset.s32 @!p0 $0xFFFFF086;
	s6 =	sadd.s32 @!p0 s3, s7;
	s7 =	simm.s32 @!p0 $0x108  }
0x21: {  	s3 =	sadd.s32 s3, s9;
	s6 =	sadd.s32 @!p0 $0x88, s6;
	s7 =	simm.s32 @p2 $0x1082  }
0x22: {  	[simem:s7], [sflag:s8] =	dma.local @!p0 [hbm:s6], $0xF7A  }
0x23: {  	s9 =	sor.u32 $0xD0000000, s2;
	s6 =	simm.s32 $0x108;
	_ =	swait.ge @!p0 [sflag:s8], $0x0  }
0x24: {  	s3 =	sadd.s32 $0x88, s3;
	s6 =	simm.s32 @!p1 $0x1082;
	[sflag:s4] =	ssyncset.s32 $0xFFFFF086  }
0x25: {  	[simem:s6], [sflag:s4] =	dma.local [hbm:s3], $0xF7A  }
0x26: {  	[smem:$0x3F95] =	sst s1;
	(tag) =	ssettag s2;
	_ =	strace s9  }
0x27: {  	s1 =	sld [smem:$0x3FA5]  }
0x28: {  	s2 =	sld [smem:$0x3FA6]  }
0x29: {  	s4 =	sld [smem:$0x3FA8]  }
0x2a: {  	p0 =	seq.s32 s5, $0x0;
	s5 =	sld [smem:$0x3FA9]  }
0x2b: {  	s6 =	sld [smem:$0x3FAA]  }
0x2c: {  	s7 =	sld [smem:$0x3FAB]  }
0x2d: {  	s3 =	simm.s32 $0x108;
	s8 =	sld [smem:$0x3FAC]  }
0x2e: {  	s3 =	simm.s32 @!p0 $0x1082;
	s9 =	sld [smem:$0x3FAD]  }
0x2f: {  	lr =	sadd.s32 s0, s3;
	s0 =	sld [smem:$0x3FA4]  }
0x30: {  	s3 =	sld [smem:$0x3FA7]  }
0x31: {  	[smem:$0x3FB0] =	sst s10  }
0x32: {  	s10 =	sld [smem:$0x3FAE];
	_ =	sdelay $0x3  }
0x33: {  	p0 =	seq.s32 s10, $0x1;
	s10 =	sld [smem:$0x3FB0];
	_ =	sdelay $0x3  }
0x34: {  	[smem:$0x3FB0] =	sst s10  }
0x35: {  	s10 =	sld [smem:$0x3FAF];
	_ =	sdelay $0x3  }
0x36: {  	p1 =	seq.s32 s10, $0x1;
	s10 =	sld [smem:$0x3FB0];
	_ =	sdelay $0x3  }
0x37: {  	[smem:$0x3FB0] =	sst s10  }
0x38: {  	s10 =	sld [smem:$0x3FB1]  }
0x39: {  	_ = 	snop;
	(pc) =	sbr.ind lr, $3  }
0x3a: {  	_ = 	snop  }
0x3b: {  	_ = 	snop  }
0x3c: {  	p2 =	seq.s32 s10, $0x1;
	s10 =	sld [smem:$0x3FB0]  }
0x3d: {  	_ =	shalt  }
0x3e: {  	_ =	shalt  }
0x3f: {  	_ =	shalt  }
0x40: {  	_ =	shalt  }
0x41: {  	_ =	shalt  }
0x42: {  	_ =	shalt  }
0x43: {  	_ =	shalt  }
0x44: {  	_ =	shalt  }
0x45: {  	_ =	shalt  }
0x46: {  	_ =	shalt  }
0x47: {  	_ =	shalt  }
0x48: {  	_ =	shalt  }
0x49: {  	_ =	shalt  }
0x4a: {  	_ =	shalt  }
0x4b: {  	_ =	shalt  }
0x4c: {  	_ =	shalt  }
0x4d: {  	_ =	shalt  }
0x4e: {  	_ =	shalt  }
0x4f: {  	_ =	shalt  }
0x50: {  	_ =	shalt  }
0x51: {  	_ =	shalt  }
0x52: {  	_ =	shalt  }
0x53: {  	_ =	shalt  }
0x54: {  	_ =	shalt  }
0x55: {  	_ =	shalt  }
0x56: {  	_ =	shalt  }
0x57: {  	_ =	shalt  }
0x58: {  	_ =	shalt  }
0x59: {  	_ =	shalt  }
0x5a: {  	_ =	shalt  }
0x5b: {  	_ =	shalt  }
0x5c: {  	_ =	shalt  }
0x5d: {  	_ =	shalt  }
0x5e: {  	_ =	shalt  }
0x5f: {  	_ =	shalt  }
0x60: {  	_ =	shalt  }
0x61: {  	_ =	shalt  }
0x62: {  	_ =	shalt  }
0x63: {  	_ =	shalt  }
0x64: {  	_ =	shalt  }
0x65: {  	_ =	shalt  }
0x66: {  	_ =	shalt  }
0x67: {  	_ =	shalt  }
0x68: {  	_ =	shalt  }
0x69: {  	_ =	shalt  }
0x6a: {  	_ =	shalt  }
0x6b: {  	_ =	shalt  }
0x6c: {  	_ =	shalt  }
0x6d: {  	_ =	shalt  }
0x6e: {  	_ =	shalt  }
0x6f: {  	_ =	shalt  }
0x70: {  	_ =	shalt  }
0x71: {  	_ =	shalt  }
0x72: {  	_ =	shalt  }
0x73: {  	_ =	shalt  }
0x74: {  	_ =	shalt  }
0x75: {  	_ =	shalt  }
0x76: {  	_ =	shalt  }
0x77: {  	_ =	shalt  }
0x78: {  	_ =	shalt  }
0x79: {  	_ =	shalt  }
0x7a: {  	_ =	shalt  }
0x7b: {  	_ =	shalt  }
0x7c: {  	_ =	shalt  }
0x7d: {  	_ =	shalt  }
0x7e: {  	_ =	shalt  }
0x7f: {  	_ =	shalt  }
0x80: {  	_ =	shalt  }
0x81: {  	_ =	shalt  }
0x82: {  	_ =	shalt  }
0x83: {  	_ =	shalt  }
0x84: {  	_ =	shalt  }
0x85: {  	_ =	shalt  }
0x86: {  	_ =	shalt  }
0x87: {  	_ =	shalt  }
.Lfunc_end0:
.L_simem_size_0:
called_computation_lowered:
.L_overlay_start_0:
0x88: {  	s2 =	sld [smem:$0x3FD9]  }
0x89: {  	s3 =	sld [smem:$0x3FFE];
	_ =	sdelay $0x1  }
0x8a: {  	s1 =	srdreg.scid  }
0x8b: {  	s0 =	sand.u32 $0x1, s1  }
0x8c: {  	s17 =	sshll.u32 s0, $0xA;
	s2 =	sadd.s32 s3, s2  }
0x8d: {  	s2 =	sadd.s32 s2, s17  }
0x8e: {  	[smem:$0x3FBC] =	sst s2  }
0x8f: {  	_ = 	snop  }
0x90: {  	s2 =	sld [smem:$0x3FC6]  }
0x91: {  	s18 =	sld [smem:$0x3FC2]  }
0x92: {  	s4 =	sld [smem:$0x3FD0];
	(tm) =	ssettm $0x1  }
0x93: {  	s5 =	sld [smem:$0x3FFB];
	_ =	sdelay $0x3  }
0x94: {  	_ =	strace s5  }
0x95: {  	s5 =	sld [smem:$0x3FFC];
	_ =	sdelay $0x3  }
0x96: {  	_ =	strace s5  }
0x97: {  	s5 =	sld [smem:$0x3FFD];
	_ =	sdelay $0x3  }
0x98: {  	_ =	strace s5  }
0x99: {  	_ =	strace $0x8FFFFFFF  }
0x9a: {  	s19 =	sld [smem:$0x3FDB];
	_ =	sdelay $0x1  }
0x9b: {  	s6 =	simm.s32 $_scs_section_size  }
0x9c: {  	s7 =	simm.s32 $_size__tile_overlayer_lowered;
	s8 =	simm.s32 $_tile_overlayer_lowered  }
0x9d: {  	s22 =	simm.s32 $0x1BFF;
	s21 =	sshll.u32 s8, $0x1;
	s5 =	sadd.s32 s6, s19  }
0x9e: {  	s9 =	simm.s32 $0x0;
	s20 =	sshll.u32 s7, $0x1;
	s7 =	sadd.s32 s21, s5  }
0x9f: {  	[timem:s9], [sflag:s22] =	dma.local [hbm:s7], s20  }
0xa0: {  	_ =	swait.ge [sflag:s22], s20  }
0xa1: {  	s6 =	ssub.s32 $0x0, s20;
	[sflag:s22] =	ssyncset.done $0x0  }
0xa2: {  	[sflag:s22] =	ssyncadd.s32 s6;
	_ =	sdelay $0x1  }
0xa3: {  	s23 =	simm.s32 $0x1B8B  }
0xa4: {  	_ =	swait.ge [sflag:s23], $0x1  }
0xa5: {  	[sflag:s23] =	ssyncset.done $0x0  }
0xa6: {  	s25 =	simm.s32 $0x1B8E;
	s24 =	sld [smem:$0x3FFE];
	[sflag:s23] =	ssyncadd.s32 $0xFFFFFFFF  }
0xa7: {  	s26 =	simm.s32 $execute0_lowered;
	[smem:$0x3FD2] =	sst s25  }
0xa8: {  	s7 =	sshll.u32 s26, $0x1;
	_ =	strace $0x80000046;
	[dreg:$0x1] =	wrdreg $0xFFFFFFFF  }
0xa9: {  	s28 =	simm.s32 $_size_execute0_lowered;
	s5 =	sadd.s32 s5, s7;
	[dreg:$0x0] =	wrdreg $0x0  }
0xaa: {  	s7 =	sshll.u32 s28, $0x1;
	[dreg:$0x2] =	wrdreg s5  }
0xab: {  	[dreg:$0x3] =	wrdreg s7  }
0xac: {  	[dreg:$0x4] =	wrdreg $0xC0  }
0xad: {  	_ =	task [dreg:s9], $0x5FFFF  }
0xae: {  	[dreg:$0x1] =	wrdreg $0xFFFFFFFF  }
0xaf: {  	[dreg:$0x0] =	wrdreg $0x60  }
0xb0: {  	[dreg:$0x2] =	wrdreg s2  }
0xb1: {  	[dreg:$0x3] =	wrdreg s24  }
0xb2: {  	[dreg:$0x4] =	wrdreg s18  }
0xb3: {  	[dreg:$0x5] =	wrdreg s4  }
0xb4: {  	[dreg:$0x6] =	wrdreg $0x9  }
0xb5: {  	_ =	task.clear_ibuf [dreg:s9], $0x7FFFF;
	_ =	strace $0x90000046  }
0xb6: {  	s29 =	simm.s32 $0x9;
	_ =	strace $0x80000048  }
0xb7: {  	_ =	swait.ge [sflag:s29], $0x1  }
0xb8: {  	[sflag:s29] =	ssyncadd.s32 $0xFFFFFFFF  }
0xb9: {  	_ =	strace $0x90000048  }
0xba: {  	_ =	sfence  }
0xbb: {  	s30 =	sld [smem:$0x0];
	_ =	sdelay $0x2  }
0xbc: {  	s31 =	sshll.u32 s1, $0xD;
	s1 =	sshrl.u32 s1, $0x2  }
0xbd: {  	s3 =	sand.u32 $0x4000, s31;
	s1 =	sadd.s32 s1, s30  }
0xbe: {  	s0 =	sor.u32 s3, s0;
	s1 =	sshll.u32 s1, $0x11  }
0xbf: {  	s0 =	sor.u32 s1, s0  }
0xc0: {  	s0 =	sadd.s32 $0x8F2B, s0  }
0xc1: {  	[sflag:s0] =	ssyncadd.remote.s32 $0x1  }
0xc2: {  	_ =	sfence.sel $0xFFFF  }
0xc3: {  	[dreg:$0x0] =	wrdreg $0xFFFFFFFF;
	(pc) =	sbr.abs _section_cstart, $3  }
0xc4: {  	[dreg:$0x1] =	wrdreg $0xFFFFFFFF  }
0xc5: {  	_ =	task.clear_ibuf [dreg:s9], $0x2FFFF;
	_ =	strace $0x9FFFFFFF  }
0xc6: {  	(tm) =	ssettm $0x7FFFFFFF  }
0xc7: {  	_ =	shalt  }
tec
execute0_lowered:
.L_overlay_start_1:
0x0: {  	(tag) =	ssettag $0x1  }
0x1: {  	s1 =	rddreg [dreg:$0x0]  }
0x2: {  	s0 =	rddreg [dreg:$0x1]  }
0x3: {  	s2 =	rddreg [dreg:$0x2]  }
0x4: {  	s3 =	rddreg [dreg:$0x3];
	s4 =	simm.s32 $0x0  }
0x5: {  	s17 =	srdreg.scid;
	s7 =	stileid.u32;
	s30 =	simm.s32 $0x7200  }
0x6: {  	s14 =	simm.s32 $0x1;
	s31 =	simm.s32 $0x3;
	[smem:$0x7FF] =	sst s4  }
0x7: {  	s5 =	sadd.s32 $0x1600, s0;
	s15 =	sadd.s32 $0x2800, s0;
	s16 =	sadd.s32 $0x3800, s0  }
0x8: {  	s9 =	sadd.s32 $0x1800, s0;
	s10 =	sadd.s32 $0x85800, s0;
	s7 =	sshll.u32 s7, $0xB  }
0x9: {  	s11 =	sadd.s32 $0x5800, s0;
	_ =	strace $0x80000047;
	[dreg:$0x5] =	wrdreg s5  }
0xa: {  	s12 =	sadd.s32 $0x4800, s0;
	[dreg:$0x6] =	wrdreg s15;
	s5 =	sand.u32 $0x1, s17  }
0xb: {  	[dreg:$0x7] =	wrdreg s16;
	s6 =	ssub.s32 $0x2, s5;
	s5 =	sshll.u32 s5, $0xA  }
0xc: {  	s15 =	simm.s32 $0x3200;
	s17 =	simm.s32 $0x4;
	s5 =	sor.u32 s5, s7  }
0xd: {  	s8 =	sshrl.u32 s6, $0x1;
	s7 =	sshrl.u32 s5, $0x3;
	s26 =	sor.u32 $0x20, s5  }
0xe: {  	s6 =	ssub.s32 s6, s8;
	s18 =	sadd.s32 s9, s7;
	[dreg:$0x12] =	wrdreg s26  }
0xf: {  	s19 =	sshll.u32 s5, $0x4;
	s7 =	sadd.s32 s12, s7;
	[dreg:$0x8] =	wrdreg s18  }
0x10: {  	s22 =	sor.u32 $0x10, s5;
	s20 =	sadd.s32 s3, s19;
	[dreg:$0x9] =	wrdreg s7  }
0x11: {  	s28 =	sor.u32 $0x30, s5;
	s21 =	sadd.s32 s10, s19;
	[dreg:$0xa] =	wrdreg s20  }
0x12: {  	s23 =	sshrl.u32 s22, $0x3;
	s29 =	smax.u32 s6, $0x1;
	[dreg:$0xb] =	wrdreg s21  }
0x13: {  	s8 =	sshll.u32 s22, $0x4;
	s7 =	sadd.s32 s11, s19;
	[dreg:$0x13] =	wrdreg s29  }
0x14: {  	s6 =	simm.s32 $0x4200;
	s13 =	sadd.s32 s9, s23;
	[dreg:$0xc] =	wrdreg s7  }
0x15: {  	s3 =	sadd.s32 s3, s8;
	s24 =	sadd.s32 s10, s8;
	[dreg:$0xd] =	wrdreg s13  }
.Ltmp0:
0x16: {  	s25 =	sadd.s32 s11, s8;
	[dreg:$0xf] =	wrdreg s3;
	(pc) =	sbr.rel .LBB2_1-.Ltmp0, $4  }
0x17: {  	s18 =	simm.s32 $0x5;
	s7 =	sadd.s32 s12, s23;
	[dreg:$0x10] =	wrdreg s24  }
0x18: {  	v2 =	vlaneseq.u32;
	[dreg:$0x11] =	wrdreg s25;
	s23 =	sadd.s32 $0x105800, s0;
	s24 =	sadd.s32 $0x105A00, s0  }
0x19: {  	vm0 =	vmmov $0xffff;
	v1 =	vshrl.u32 v2, $0x3;
	s25 =	sshll.u32 s5, $0x5;
	s0 =	simm.s32 $0x7900;
	s5 =	simm.s32 $0x2  }
0x1a: {  	v0 =	vand.u32 $0x7, v2;
	v2 =	vor.u32 $0x8, v2;
	v1 =	vmul.u32 $0x8, v1;
	s13 =	simm.s32 $0x0;
	[dreg:$0xe] =	wrdreg s7;
	s7 =	simm.s32 $0xF900  }
.LBB2_11:
0x1b: {  	_ =	swait.ge [sflag:s18], $0x1000  }
0x1c: {  	[sflag:s18] =	ssyncset.done $0x0  }
0x1d: {  	s8 =	simm.s32 $0x6;
	[sflag:s18] =	ssyncadd.s32 $0xFFFFF000  }
0x1e: {  	_ =	swait.ge [sflag:s8], $0x1000  }
0x1f: {  	s13 =	rddreg [dreg:$0x14]  }
0x20: {  	s3 =	rddreg [dreg:$0x13];
	s13 =	sadd.s32 $0x1, s13  }
0x21: {  	p0 =	sne.s32 s13, s3  }
.Ltmp1:
0x22: {  	_ = 	snop;
	(pc) =	sbr.rel @!p0 .LBB2_12-.Ltmp1, $3  }
0x23: {  	_ =	sdelay $0x1  }
0x24: {  	[sflag:s8] =	ssyncset.done $0x0  }
0x25: {  	[sflag:s8] =	ssyncadd.s32 $0xFFFFF000  }
.LBB2_1:
0x26: {  	[dreg:$0x14] =	wrdreg s13  }
0x27: {  	s3 =	rddreg [dreg:$0x5];
	s8 =	simm.s32 $0x7  }
0x28: {  	[tilespmem:s30], [sflag:$0x7] =	stream.linear.gather [hbm4b:s3+s4], $0x700, $0x38;
	[tilespmem:$0x17900] =	vst v63  }
0x29: {  	_ =	swait.ge [sflag:s8], $0x700  }
0x2a: {  	[sflag:s8] =	ssyncset.done $0x0  }
0x2b: {  	s16 =	rddreg [dreg:$0x6];
	[sflag:s8] =	ssyncadd.s32 $0xFFFFF900  }
0x2c: {  	[tilespmem:s0], [sflag:$0x7] =	stream.linear.gather [hbm4b:s16+s4], $0x8000, $0x38;
	[tilespmem:$0x17900] =	vst v63  }
0x2d: {  	_ =	swait.ge [sflag:s8], $0x8000  }
0x2e: {  	[sflag:s8] =	ssyncset.done $0x0  }
0x2f: {  	s19 =	rddreg [dreg:$0x7];
	[sflag:s8] =	ssyncadd.s32 $0xFFFF8000  }
0x30: {  	[tilespmem:s7], [sflag:$0x7] =	stream.linear.gather [hbm4b:s19+s4], $0x8000, $0x38;
	[tilespmem:$0x17900] =	vst v63  }
0x31: {  	_ =	swait.ge [sflag:s8], $0x8000  }
0x32: {  	[sflag:s8] =	ssyncset.done $0x0  }
0x33: {  	s20 =	rddreg [dreg:$0x8];
	[sflag:s8] =	ssyncadd.s32 $0xFFFF8000  }
0x34: {  	[tilespmem:s4], [sflag:$0x1] =	stream.linear.gather [hbm4b:s20+s4], $0x10, $0x38;
	[tilespmem:$0x17900] =	vst v63  }
0x35: {  	s22 =	simm.s32 $0x100;
	s21 =	rddreg [dreg:$0x9]  }
0x36: {  	[tilespmem:s22], [sflag:$0x1] =	stream.linear.gather [hbm4b:s21+s4], $0x10, $0x38;
	[tilespmem:$0x17900] =	vst v63  }
0x37: {  	s29 =	simm.s32 $0x200;
	s26 =	rddreg [dreg:$0xa]  }
0x38: {  	[tilespmem:s29], [sflag:$0x1] =	stream.linear.gather [hbm4b:s26+s4], $0x800, $0x38;
	[tilespmem:$0x17900] =	vst v63  }
0x39: {  	s13 =	simm.s32 $0x1200;
	s8 =	rddreg [dreg:$0xb]  }
0x3a: {  	[tilespmem:s13], [sflag:$0x1] =	stream.linear.gather [hbm4b:s8+s4], $0x800, $0x38;
	[tilespmem:$0x17900] =	vst v63  }
0x3b: {  	s19 =	simm.s32 $0x2200;
	s16 =	rddreg [dreg:$0xc]  }
0x3c: {  	[tilespmem:s19], [sflag:$0x1] =	stream.linear.gather [hbm4b:s16+s4], $0x800, $0x38;
	[tilespmem:$0x17900] =	vst v63  }
0x3d: {  	_ =	swait.ge [sflag:s14], $0x10  }
0x3e: {  	[sflag:s14] =	ssyncset.done $0x0  }
0x3f: {  	[sflag:s14] =	ssyncadd.s32 $0xFFFFFFF0  }
0x40: {  	_ =	swait.ge [sflag:s14], $0x10  }
0x41: {  	[sflag:s14] =	ssyncset.done $0x0  }
0x42: {  	[sflag:s14] =	ssyncadd.s32 $0xFFFFFFF0  }
0x43: {  	_ =	swait.ge [sflag:s14], $0x800  }
0x44: {  	[sflag:s14] =	ssyncset.done $0x0  }
0x45: {  	[sflag:s14] =	ssyncadd.s32 $0xFFFFF800  }
0x46: {  	_ =	swait.ge [sflag:s14], $0x800  }
0x47: {  	[sflag:s14] =	ssyncset.done $0x0  }
0x48: {  	[sflag:s14] =	ssyncadd.s32 $0xFFFFF800  }
0x49: {  	_ =	swait.ge [sflag:s14], $0x800  }
0x4a: {  	[sflag:s14] =	ssyncset.done $0x0  }
0x4b: {  	[sflag:s14] =	ssyncadd.s32 $0xFFFFF800  }
0x4c: {  	v3 =	vld [tilespmem:$0x0];
	_ =	sdelay $0x4  }
0x4d: {  	v4 =	vshll.u32 v3, $0x1  }
0x4e: {  	v3 =	vand.u32 $0x7, v3;
	v4 =	vand.u32 $0xFFFFFFF0, v4  }
0x4f: {  	v3 =	vor.u32 v3, v4  }
0x50: {  	v4 =	vperm.xlane v3, v0;
	_ =	sdelay $0x1  }
0x51: {  	v3 =	vperm.xlane v3, v2;
	v4 =	vadd.s32 v1, v4;
	_ =	sdelay $0x1  }
0x52: {  	v3 =	vadd.s32 v1, v3;
	_ =	sdelay $0x2  }
0x53: {  	[tilespmem:s15], [sflag:$0x3] =	stream.indirect_vreg.gather [hbm4b:s1+s4], $0x80, v4, vm0, $0xb8;
	[tilespmem:$0x17900] =	vst v63  }
0x54: {  	s20 =	simm.s32 $0x3A00  }
0x55: {  	[tilespmem:s20], [sflag:$0x3] =	stream.indirect_vreg.gather [hbm4b:s1+s4], $0x80, v3, vm0, $0xb8;
	[tilespmem:$0x17900] =	vst v63  }
0x56: {  	v3 =	vld [tilespmem:$0x100];
	_ =	sdelay $0x4  }
0x57: {  	v63 =	vshll.u32 v3, $0x1  }
0x58: {  	v3 =	vand.u32 $0x7, v3;
	v4 =	vand.u32 $0xFFFFFFF0, v63  }
0x59: {  	v3 =	vor.u32 v3, v4  }
0x5a: {  	v4 =	vperm.xlane v3, v0;
	_ =	sdelay $0x1  }
0x5b: {  	v3 =	vperm.xlane v3, v2;
	v4 =	vadd.s32 v1, v4;
	_ =	sdelay $0x1  }
0x5c: {  	v3 =	vadd.s32 v1, v3;
	_ =	sdelay $0x1  }
0x5d: {  	s21 =	simm.s32 $0x5200  }
0x5e: {  	[tilespmem:s21], [sflag:$0x3] =	stream.indirect_vreg.gather [hbm4b:s2+s4], $0x80, v4, vm0, $0xb8;
	[tilespmem:$0x17900] =	vst v63  }
0x5f: {  	s22 =	simm.s32 $0x5A00  }
0x60: {  	[tilespmem:s22], [sflag:$0x3] =	stream.indirect_vreg.gather [hbm4b:s2+s4], $0x80, v3, vm0, $0xb8;
	[tilespmem:$0x17900] =	vst v63  }
0x61: {  	s29 =	simm.s32 $0x80;
	s26 =	rddreg [dreg:$0xd]  }
0x62: {  	[tilespmem:s29], [sflag:$0x2] =	stream.linear.gather [hbm4b:s26+s4], $0x10, $0x38;
	[tilespmem:$0x17900] =	vst v63  }
0x63: {  	s16 =	simm.s32 $0x180;
	s13 =	rddreg [dreg:$0xe]  }
0x64: {  	[tilespmem:s16], [sflag:$0x2] =	stream.linear.gather [hbm4b:s13+s4], $0x10, $0x38;
	[tilespmem:$0x17900] =	vst v63  }
0x65: {  	s19 =	rddreg [dreg:$0xf];
	s20 =	simm.s32 $0xA00  }
0x66: {  	[tilespmem:s20], [sflag:$0x2] =	stream.linear.gather [hbm4b:s19+s4], $0x800, $0x38;
	[tilespmem:$0x17900] =	vst v63  }
0x67: {  	s21 =	rddreg [dreg:$0x10];
	s22 =	simm.s32 $0x1A00  }
0x68: {  	[tilespmem:s22], [sflag:$0x2] =	stream.linear.gather [hbm4b:s21+s4], $0x800, $0x38;
	[tilespmem:$0x17900] =	vst v63  }
0x69: {  	s26 =	rddreg [dreg:$0x11];
	s29 =	simm.s32 $0x2A00  }
0x6a: {  	[tilespmem:s29], [sflag:$0x2] =	stream.linear.gather [hbm4b:s26+s4], $0x800, $0x38;
	[tilespmem:$0x17900] =	vst v63  }
0x6b: {  	s26 =	simm.s32 $0x0  }
.LBB2_2:
0x6c: {  	_ =	swait.ge [sflag:s31], $0x1000  }
0x6d: {  	[sflag:s31] =	ssyncset.done $0x0  }
0x6e: {  	[sflag:s31] =	ssyncadd.s32 $0xFFFFF000  }
0x6f: {  	_ =	swait.ge [sflag:s31], $0x1000  }
0x70: {  	[sflag:s31] =	ssyncset.done $0x0  }
0x71: {  	[sflag:s31] =	ssyncadd.s32 $0xFFFFF000  }
0x72: {  	_ =	swait.ge [sflag:s5], $0x10  }
0x73: {  	[sflag:s5] =	ssyncset.done $0x0  }
0x74: {  	[sflag:s5] =	ssyncadd.s32 $0xFFFFFFF0  }
0x75: {  	_ =	swait.ge [sflag:s5], $0x10  }
0x76: {  	[sflag:s5] =	ssyncset.done $0x0  }
0x77: {  	[sflag:s5] =	ssyncadd.s32 $0xFFFFFFF0  }
0x78: {  	_ =	swait.ge [sflag:s5], $0x800  }
0x79: {  	[sflag:s5] =	ssyncset.done $0x0  }
0x7a: {  	[sflag:s5] =	ssyncadd.s32 $0xFFFFF800  }
0x7b: {  	_ =	swait.ge [sflag:s5], $0x800  }
0x7c: {  	[sflag:s5] =	ssyncset.done $0x0  }
0x7d: {  	[sflag:s5] =	ssyncadd.s32 $0xFFFFF800  }
0x7e: {  	_ =	swait.ge [sflag:s5], $0x800  }
0x7f: {  	p0 =	seq.s32 s26, $0x0;
	[sflag:s5] =	ssyncset.done $0x0  }
0x80: {  	s8 =	simm.s32 @!p0 $0x6;
	[sflag:s5] =	ssyncadd.s32 $0xFFFFF800  }
0x81: {  	_ =	swait.ge @!p0 [sflag:s8], $0x1000  }
0x82: {  	[sflag:s8] =	ssyncset.done @!p0 $0x0  }
0x83: {  	[sflag:s8] =	ssyncadd.s32 @!p0 $0xFFFFF000  }
0x84: {  	v3 =	vld [tilespmem:$0x80];
	_ =	sdelay $0x4  }
0x85: {  	v4 =	vshll.u32 v3, $0x1  }
0x86: {  	v3 =	vand.u32 $0x7, v3;
	v4 =	vand.u32 $0xFFFFFFF0, v4  }
0x87: {  	v3 =	vor.u32 v3, v4  }
0x88: {  	v4 =	vperm.xlane v3, v0;
	_ =	sdelay $0x1  }
0x89: {  	v3 =	vperm.xlane v3, v2;
	v4 =	vadd.s32 v1, v4;
	_ =	sdelay $0x1  }
0x8a: {  	v3 =	vadd.s32 v1, v3;
	_ =	sdelay $0x1  }
0x8b: {  	s20 =	simm.s32 $0x0  }
0x8c: {  	[tilespmem:s6], [sflag:$0x4] =	stream.indirect_vreg.gather [hbm4b:s1+s20], $0x80, v4, vm0, $0xb8;
	[tilespmem:$0x17900] =	vst v63  }
0x8d: {  	s3 =	simm.s32 $0x4A00  }
0x8e: {  	[tilespmem:s3], [sflag:$0x4] =	stream.indirect_vreg.gather [hbm4b:s1+s20], $0x80, v3, vm0, $0xb8;
	[tilespmem:$0x17900] =	vst v63  }
0x8f: {  	v3 =	vld [tilespmem:$0x180];
	_ =	sdelay $0x4  }
0x90: {  	v4 =	vshll.u32 v3, $0x1  }
0x91: {  	v3 =	vand.u32 $0x7, v3;
	v4 =	vand.u32 $0xFFFFFFF0, v4  }
0x92: {  	v3 =	vor.u32 v3, v4  }
0x93: {  	v4 =	vperm.xlane v3, v0;
	_ =	sdelay $0x1  }
0x94: {  	v3 =	vperm.xlane v3, v2;
	v4 =	vadd.s32 v1, v4;
	_ =	sdelay $0x1  }
0x95: {  	v3 =	vadd.s32 v1, v3;
	_ =	sdelay $0x1  }
0x96: {  	s8 =	simm.s32 $0x6200  }
0x97: {  	[tilespmem:s8], [sflag:$0x4] =	stream.indirect_vreg.gather [hbm4b:s2+s20], $0x80, v4, vm0, $0xb8;
	[tilespmem:$0x17900] =	vst v63  }
0x98: {  	s13 =	simm.s32 $0x6A00;
	s21 =	simm.s32 $0x200  }
0x99: {  	[tilespmem:s13], [sflag:$0x4] =	stream.indirect_vreg.gather [hbm4b:s2+s20], $0x80, v3, vm0, $0xb8;
	[tilespmem:$0x17900] =	vst v63  }
0x9a: {  	v5 =	vld [tilespmem:s21+$0x0]  }
0x9b: {  	s22 =	simm.s32 $0x1200  }
0x9c: {  	v4 =	vld [tilespmem:s22+$0x0]  }
0x9d: {  	s16 =	simm.s32 $0x2200;
	s19 =	sand.u32 $0x800, s20;
	s13 =	sand.u32 $0x380, s20  }
0x9e: {  	v3 =	vld [tilespmem:s16+$0x0];
	s29 =	sor.u32 s13, s19  }
0x9f: {  	v6 =	vld [tilespmem:s29+$0x3200]  }
0xa0: {  	v7 =	vld [tilespmem:s29+$0x5200];
	_ =	sdelay $0x1  }
0xa1: {  	v8 =	vld.idx.msk [tilespmem:v5+s30+$0x0], $0xffff;
	_ =	sdelay $0x1  }
0xa2: {  	v9 =	vld.idx.msk [tilespmem:v4+s0+$0x0], $0xffff  }
0xa3: {  	v6 =	vadd.f32 v7, v6  }
0xa4: {  	v11 =	vld.idx.msk [tilespmem:v3+s7+$0x0], $0xffff  }
0xa5: {  	v6 =	vadd.f32 v8, v6;
	_ =	sdelay $0x1  }
0xa6: {  	v23 =	vadd.s32 $0x10, v5;
	v6 =	vadd.f32 v9, v6;
	_ =	sdelay $0x1  }
0xa7: {  	v25 =	vld [tilespmem:s29+$0x5210];
	v24 =	vadd.s32 $0x10, v4;
	v6 =	vadd.f32 v11, v6  }
0xa8: {  	v17 =	vld [tilespmem:s29+$0x3210]  }
0xa9: {  	v18 =	vadd.s32 $0x10, v3;
	[tilespmem:s29+$0x3200] =	vst v6  }
0xaa: {  	v6 =	vld.idx.msk [tilespmem:v23+s30+$0x0], $0xffff;
	_ =	sdelay $0x1  }
0xab: {  	v26 =	vld.idx.msk [tilespmem:v24+s0+$0x0], $0xffff  }
0xac: {  	v27 =	vadd.f32 v25, v17  }
0xad: {  	v28 =	vld.idx.msk [tilespmem:v18+s7+$0x0], $0xffff  }
0xae: {  	v6 =	vadd.f32 v6, v27;
	_ =	sdelay $0x1  }
0xaf: {  	v29 =	vadd.s32 $0x20, v5;
	v30 =	vadd.f32 v26, v6;
	_ =	sdelay $0x1  }
0xb0: {  	v10 =	vld [tilespmem:s29+$0x5220];
	v19 =	vadd.s32 $0x20, v4;
	v11 =	vadd.f32 v28, v30  }
0xb1: {  	v31 =	vld [tilespmem:s29+$0x3220]  }
0xb2: {  	v20 =	vadd.s32 $0x20, v3;
	[tilespmem:s29+$0x3210] =	vst v11  }
0xb3: {  	v11 =	vld.idx.msk [tilespmem:v29+s30+$0x0], $0xffff;
	_ =	sdelay $0x1  }
0xb4: {  	v32 =	vld.idx.msk [tilespmem:v19+s0+$0x0], $0xffff  }
0xb5: {  	v10 =	vadd.f32 v10, v31  }
0xb6: {  	v33 =	vld.idx.msk [tilespmem:v20+s7+$0x0], $0xffff  }
0xb7: {  	v10 =	vadd.f32 v11, v10;
	_ =	sdelay $0x1  }
0xb8: {  	v34 =	vadd.s32 $0x30, v5;
	v10 =	vadd.f32 v32, v10;
	_ =	sdelay $0x1  }
0xb9: {  	v12 =	vld [tilespmem:s29+$0x5230];
	v35 =	vadd.s32 $0x30, v4;
	v10 =	vadd.f32 v33, v10  }
0xba: {  	v36 =	vld [tilespmem:s29+$0x3230]  }
0xbb: {  	v37 =	vadd.s32 $0x30, v3;
	[tilespmem:s29+$0x3220] =	vst v10  }
0xbc: {  	v10 =	vld.idx.msk [tilespmem:v34+s30+$0x0], $0xffff;
	_ =	sdelay $0x1  }
0xbd: {  	v38 =	vld.idx.msk [tilespmem:v35+s0+$0x0], $0xffff  }
0xbe: {  	v12 =	vadd.f32 v12, v36  }
0xbf: {  	v39 =	vld.idx.msk [tilespmem:v37+s7+$0x0], $0xffff  }
0xc0: {  	v10 =	vadd.f32 v10, v12;
	_ =	sdelay $0x1  }
0xc1: {  	v40 =	vadd.s32 $0x40, v5;
	v10 =	vadd.f32 v38, v10;
	_ =	sdelay $0x1  }
0xc2: {  	v42 =	vld [tilespmem:s29+$0x5240];
	v41 =	vadd.s32 $0x40, v4;
	v10 =	vadd.f32 v39, v10  }
0xc3: {  	v43 =	vld [tilespmem:s29+$0x3240]  }
0xc4: {  	v44 =	vadd.s32 $0x40, v3;
	[tilespmem:s29+$0x3230] =	vst v10  }
0xc5: {  	v10 =	vld.idx.msk [tilespmem:v40+s30+$0x0], $0xffff;
	_ =	sdelay $0x1  }
0xc6: {  	v11 =	vld.idx.msk [tilespmem:v41+s0+$0x0], $0xffff  }
0xc7: {  	v45 =	vadd.f32 v42, v43  }
0xc8: {  	v46 =	vld.idx.msk [tilespmem:v44+s7+$0x0], $0xffff  }
0xc9: {  	v10 =	vadd.f32 v10, v45;
	_ =	sdelay $0x1  }
0xca: {  	v47 =	vadd.s32 $0x50, v5;
	v10 =	vadd.f32 v11, v10;
	_ =	sdelay $0x1  }
0xcb: {  	v49 =	vld [tilespmem:s29+$0x5250];
	v48 =	vadd.s32 $0x50, v4;
	v10 =	vadd.f32 v46, v10  }
0xcc: {  	v50 =	vld [tilespmem:s29+$0x3250]  }
0xcd: {  	v51 =	vadd.s32 $0x50, v3;
	[tilespmem:s29+$0x3240] =	vst v10  }
0xce: {  	v10 =	vld.idx.msk [tilespmem:v47+s30+$0x0], $0xffff;
	_ =	sdelay $0x1  }
0xcf: {  	v11 =	vld.idx.msk [tilespmem:v48+s0+$0x0], $0xffff  }
0xd0: {  	v52 =	vadd.f32 v49, v50  }
0xd1: {  	v53 =	vld.idx.msk [tilespmem:v51+s7+$0x0], $0xffff  }
0xd2: {  	v10 =	vadd.f32 v10, v52;
	_ =	sdelay $0x1  }
0xd3: {  	v54 =	vadd.s32 $0x60, v5;
	v10 =	vadd.f32 v11, v10;
	_ =	sdelay $0x1  }
0xd4: {  	v13 =	vld [tilespmem:s29+$0x5260];
	v55 =	vadd.s32 $0x60, v4;
	v10 =	vadd.f32 v53, v10  }
0xd5: {  	v56 =	vld [tilespmem:s29+$0x3260]  }
0xd6: {  	v57 =	vadd.s32 $0x60, v3;
	[tilespmem:s29+$0x3250] =	vst v10  }
0xd7: {  	v10 =	vld.idx.msk [tilespmem:v54+s30+$0x0], $0xffff;
	_ =	sdelay $0x1  }
0xd8: {  	v11 =	vld.idx.msk [tilespmem:v55+s0+$0x0], $0xffff  }
0xd9: {  	v58 =	vadd.f32 v13, v56  }
0xda: {  	v59 =	vld.idx.msk [tilespmem:v57+s7+$0x0], $0xffff  }
0xdb: {  	v10 =	vadd.f32 v10, v58;
	_ =	sdelay $0x1  }
0xdc: {  	v60 =	vadd.s32 $0x70, v5;
	v10 =	vadd.f32 v11, v10;
	_ =	sdelay $0x1  }
0xdd: {  	v14 =	vld [tilespmem:s29+$0x5270];
	v61 =	vadd.s32 $0x70, v4;
	v10 =	vadd.f32 v59, v10  }
0xde: {  	v62 =	vld [tilespmem:s29+$0x3270]  }
0xdf: {  	v63 =	vadd.s32 $0x70, v3;
	[tilespmem:s29+$0x3260] =	vst v10  }
0xe0: {  	v10 =	vld.idx.msk [tilespmem:v60+s30+$0x0], $0xffff;
	_ =	sdelay $0x1  }
0xe1: {  	v11 =	vld.idx.msk [tilespmem:v61+s0+$0x0], $0xffff  }
0xe2: {  	v18 =	vadd.f32 v14, v62  }
0xe3: {  	v19 =	vld.idx.msk [tilespmem:v63+s7+$0x0], $0xffff  }
0xe4: {  	v10 =	vadd.f32 v10, v18;
	_ =	sdelay $0x1  }
0xe5: {  	v20 =	vadd.s32 $0x80, v5;
	v10 =	vadd.f32 v11, v10;
	_ =	sdelay $0x1  }
0xe6: {  	v15 =	vld [tilespmem:s29+$0x5600];
	v21 =	vadd.s32 $0x80, v4;
	v10 =	vadd.f32 v19, v10  }
0xe7: {  	v22 =	vld [tilespmem:s29+$0x3600]  }
0xe8: {  	v23 =	vadd.s32 $0x80, v3;
	[tilespmem:s29+$0x3270] =	vst v10  }
0xe9: {  	v10 =	vld.idx.msk [tilespmem:v20+s30+$0x0], $0xffff;
	_ =	sdelay $0x1  }
0xea: {  	v11 =	vld.idx.msk [tilespmem:v21+s0+$0x0], $0xffff  }
0xeb: {  	v24 =	vadd.f32 v15, v22  }
0xec: {  	v25 =	vld.idx.msk [tilespmem:v23+s7+$0x0], $0xffff  }
0xed: {  	v10 =	vadd.f32 v10, v24;
	_ =	sdelay $0x1  }
0xee: {  	v26 =	vadd.s32 $0x90, v5;
	v10 =	vadd.f32 v11, v10;
	_ =	sdelay $0x1  }
0xef: {  	v9 =	vld [tilespmem:s29+$0x5610];
	v27 =	vadd.s32 $0x90, v4;
	v10 =	vadd.f32 v25, v10  }
0xf0: {  	v28 =	vld [tilespmem:s29+$0x3610]  }
0xf1: {  	v29 =	vadd.s32 $0x90, v3;
	[tilespmem:s29+$0x3600] =	vst v10  }
0xf2: {  	v10 =	vld.idx.msk [tilespmem:v26+s30+$0x0], $0xffff;
	_ =	sdelay $0x1  }
0xf3: {  	v11 =	vld.idx.msk [tilespmem:v27+s0+$0x0], $0xffff  }
0xf4: {  	v9 =	vadd.f32 v9, v28  }
0xf5: {  	v30 =	vld.idx.msk [tilespmem:v29+s7+$0x0], $0xffff  }
0xf6: {  	v9 =	vadd.f32 v10, v9;
	_ =	sdelay $0x1  }
0xf7: {  	v31 =	vadd.s32 $0xA0, v5;
	v9 =	vadd.f32 v11, v9;
	_ =	sdelay $0x1  }
0xf8: {  	v16 =	vld [tilespmem:s29+$0x5620];
	v32 =	vadd.s32 $0xA0, v4;
	v9 =	vadd.f32 v30, v9  }
0xf9: {  	v33 =	vld [tilespmem:s29+$0x3620]  }
0xfa: {  	v34 =	vadd.s32 $0xA0, v3;
	[tilespmem:s29+$0x3610] =	vst v9  }
0xfb: {  	v9 =	vld.idx.msk [tilespmem:v31+s30+$0x0], $0xffff;
	_ =	sdelay $0x1  }
0xfc: {  	v35 =	vld.idx.msk [tilespmem:v32+s0+$0x0], $0xffff  }
0xfd: {  	v36 =	vadd.f32 v16, v33  }
0xfe: {  	v37 =	vld.idx.msk [tilespmem:v34+s7+$0x0], $0xffff  }
0xff: {  	v9 =	vadd.f32 v9, v36;
	_ =	sdelay $0x1  }
0x100: {  	v38 =	vadd.s32 $0xB0, v5;
	v9 =	vadd.f32 v35, v9;
	_ =	sdelay $0x1  }
0x101: {  	v39 =	vadd.s32 $0xB0, v4;
	v40 =	vld [tilespmem:s29+$0x5630];
	v9 =	vadd.f32 v37, v9  }
0x102: {  	v41 =	vld [tilespmem:s29+$0x3630]  }
0x103: {  	v42 =	vadd.s32 $0xB0, v3;
	[tilespmem:s29+$0x3620] =	vst v9  }
0x104: {  	v9 =	vld.idx.msk [tilespmem:v38+s30+$0x0], $0xffff;
	_ =	sdelay $0x1  }
0x105: {  	v10 =	vld.idx.msk [tilespmem:v39+s0+$0x0], $0xffff  }
0x106: {  	v43 =	vadd.f32 v40, v41  }
0x107: {  	v44 =	vld.idx.msk [tilespmem:v42+s7+$0x0], $0xffff  }
0x108: {  	v9 =	vadd.f32 v9, v43;
	_ =	sdelay $0x1  }
0x109: {  	v45 =	vadd.s32 $0xC0, v5;
	v9 =	vadd.f32 v10, v9;
	_ =	sdelay $0x1  }
0x10a: {  	v8 =	vld [tilespmem:s29+$0x5640];
	v46 =	vadd.s32 $0xC0, v4;
	v9 =	vadd.f32 v44, v9  }
0x10b: {  	v47 =	vld [tilespmem:s29+$0x3640]  }
0x10c: {  	v48 =	vadd.s32 $0xC0, v3;
	[tilespmem:s29+$0x3630] =	vst v9  }
0x10d: {  	v9 =	vld.idx.msk [tilespmem:v45+s30+$0x0], $0xffff;
	_ =	sdelay $0x1  }
0x10e: {  	v10 =	vld.idx.msk [tilespmem:v46+s0+$0x0], $0xffff  }
0x10f: {  	v8 =	vadd.f32 v8, v47  }
0x110: {  	v49 =	vld.idx.msk [tilespmem:v48+s7+$0x0], $0xffff  }
0x111: {  	v8 =	vadd.f32 v9, v8;
	_ =	sdelay $0x1  }
0x112: {  	v50 =	vadd.s32 $0xD0, v5;
	v8 =	vadd.f32 v10, v8;
	_ =	sdelay $0x1  }
0x113: {  	v51 =	vadd.s32 $0xD0, v4;
	v52 =	vld [tilespmem:s29+$0x5650];
	v8 =	vadd.f32 v49, v8  }
0x114: {  	v53 =	vld [tilespmem:s29+$0x3650]  }
0x115: {  	v54 =	vadd.s32 $0xD0, v3;
	[tilespmem:s29+$0x3640] =	vst v8  }
0x116: {  	v8 =	vld.idx.msk [tilespmem:v50+s30+$0x0], $0xffff;
	_ =	sdelay $0x1  }
0x117: {  	v55 =	vld.idx.msk [tilespmem:v51+s0+$0x0], $0xffff  }
0x118: {  	v56 =	vadd.f32 v52, v53  }
0x119: {  	v57 =	vld.idx.msk [tilespmem:v54+s7+$0x0], $0xffff  }
0x11a: {  	v8 =	vadd.f32 v8, v56;
	_ =	sdelay $0x1  }
0x11b: {  	v58 =	vadd.s32 $0xE0, v5;
	v8 =	vadd.f32 v55, v8;
	_ =	sdelay $0x1  }
0x11c: {  	v7 =	vld [tilespmem:s29+$0x5660];
	v59 =	vadd.s32 $0xE0, v4;
	v8 =	vadd.f32 v57, v8  }
0x11d: {  	v60 =	vld [tilespmem:s29+$0x3660]  }
0x11e: {  	v61 =	vadd.s32 $0xE0, v3;
	[tilespmem:s29+$0x3650] =	vst v8  }
0x11f: {  	v8 =	vld.idx.msk [tilespmem:v58+s30+$0x0], $0xffff;
	_ =	sdelay $0x1  }
0x120: {  	v9 =	vld.idx.msk [tilespmem:v59+s0+$0x0], $0xffff  }
0x121: {  	v7 =	vadd.f32 v7, v60  }
0x122: {  	v62 =	vld.idx.msk [tilespmem:v61+s7+$0x0], $0xffff  }
0x123: {  	v7 =	vadd.f32 v8, v7;
	_ =	sdelay $0x1  }
0x124: {  	v5 =	vadd.s32 $0xF0, v5;
	v7 =	vadd.f32 v9, v7;
	_ =	sdelay $0x1  }
0x125: {  	v6 =	vld [tilespmem:s29+$0x5670];
	v4 =	vadd.s32 $0xF0, v4;
	v7 =	vadd.f32 v62, v7  }
0x126: {  	v63 =	vld [tilespmem:s29+$0x3670]  }
0x127: {  	v3 =	vadd.s32 $0xF0, v3;
	[tilespmem:s29+$0x3660] =	vst v7  }
0x128: {  	v5 =	vld.idx.msk [tilespmem:v5+s30+$0x0], $0xffff;
	_ =	sdelay $0x1  }
0x129: {  	v4 =	vld.idx.msk [tilespmem:v4+s0+$0x0], $0xffff  }
0x12a: {  	v6 =	vadd.f32 v6, v63  }
0x12b: {  	v3 =	vld.idx.msk [tilespmem:v3+s7+$0x0], $0xffff  }
0x12c: {  	v5 =	vadd.f32 v5, v6;
	_ =	sdelay $0x1  }
0x12d: {  	v4 =	vadd.f32 v4, v5;
	_ =	sdelay $0x1  }
0x12e: {  	s8 =	simm.s32 $0x80;
	s19 =	sshll.u32 s26, $0x5;
	s13 =	simm.s32 $0x2280;
	v3 =	vadd.f32 v3, v4  }
.LBB2_3:
0x12f: {  	s20 =	sadd.s32 $0x100, s20;
	s21 =	sadd.s32 $0x80, s21;
	s22 =	sadd.s32 $0x80, s22  }
0x130: {  	p0 =	sne.s32 s8, $0x780;
	s16 =	smov.u32 s8;
	s8 =	sadd.s32 $0x80, s8;
	[tilespmem:s29+$0x3670] =	vst v3  }
0x131: {  	v5 =	vld [tilespmem:s21+$0x0]  }
0x132: {  	v3 =	vld [tilespmem:s22+$0x0];
	_ =	sdelay $0x1  }
0x133: {  	v4 =	vld [tilespmem:s13+$0x0]  }
0x134: {  	s29 =	sand.u32 $0x800, s20;
	s16 =	sand.u32 $0x380, s16  }
0x135: {  	s29 =	sor.u32 s16, s29  }
0x136: {  	v6 =	vld [tilespmem:s29+$0x3200]  }
0x137: {  	v7 =	vld [tilespmem:s29+$0x5200]  }
0x138: {  	v8 =	vld.idx.msk [tilespmem:v5+s30+$0x0], $0xffff  }
0x139: {  	v9 =	vld.idx.msk [tilespmem:v3+s0+$0x0], $0xffff  }
0x13a: {  	v14 =	vld [tilespmem:s29+$0x5220]  }
0x13b: {  	v15 =	vld.idx.msk [tilespmem:v4+s7+$0x0], $0xffff  }
0x13c: {  	v6 =	vadd.f32 v7, v6;
	v16 =	vld [tilespmem:s29+$0x5230]  }
0x13d: {  	v13 =	vld [tilespmem:s29+$0x5260]  }
0x13e: {  	v6 =	vadd.f32 v8, v6;
	v12 =	vld [tilespmem:s29+$0x5270]  }
0x13f: {  	v7 =	vadd.s32 $0x10, v5;
	v11 =	vld [tilespmem:s29+$0x5600]  }
0x140: {  	v6 =	vadd.f32 v9, v6;
	v10 =	vld [tilespmem:s29+$0x5610]  }
0x141: {  	v17 =	vadd.s32 $0x10, v3;
	v9 =	vld [tilespmem:s29+$0x5620]  }
0x142: {  	v6 =	vadd.f32 v15, v6;
	v15 =	vld [tilespmem:s29+$0x5210]  }
0x143: {  	v19 =	vadd.s32 $0x10, v4;
	v18 =	vld [tilespmem:s29+$0x3210]  }
0x144: {  	[tilespmem:s29+$0x3200] =	vst v6;
	v8 =	vld [tilespmem:s29+$0x5640]  }
0x145: {  	v20 =	vld.idx.msk [tilespmem:v7+s30+$0x0], $0xffff  }
0x146: {  	v17 =	vld.idx.msk [tilespmem:v17+s0+$0x0], $0xffff  }
0x147: {  	v7 =	vld [tilespmem:s29+$0x5660]  }
0x148: {  	v15 =	vadd.f32 v15, v18;
	v18 =	vld.idx.msk [tilespmem:v19+s7+$0x0], $0xffff  }
0x149: {  	v6 =	vld [tilespmem:s29+$0x5670];
	_ =	sdelay $0x1  }
0x14a: {  	v15 =	vadd.f32 v20, v15  }
0x14b: {  	v19 =	vadd.s32 $0x20, v5  }
0x14c: {  	v15 =	vadd.f32 v17, v15  }
0x14d: {  	v17 =	vadd.s32 $0x20, v3  }
0x14e: {  	v15 =	vadd.f32 v18, v15  }
0x14f: {  	v20 =	vadd.s32 $0x20, v4;
	v18 =	vld [tilespmem:s29+$0x3220]  }
0x150: {  	[tilespmem:s29+$0x3210] =	vst v15  }
0x151: {  	v15 =	vld.idx.msk [tilespmem:v19+s30+$0x0], $0xffff  }
0x152: {  	v17 =	vld.idx.msk [tilespmem:v17+s0+$0x0], $0xffff;
	_ =	sdelay $0x1  }
0x153: {  	v14 =	vadd.f32 v14, v18;
	v18 =	vld.idx.msk [tilespmem:v20+s7+$0x0], $0xffff;
	_ =	sdelay $0x2  }
0x154: {  	v14 =	vadd.f32 v15, v14  }
0x155: {  	v15 =	vadd.s32 $0x30, v5  }
0x156: {  	v14 =	vadd.f32 v17, v14  }
0x157: {  	v17 =	vadd.s32 $0x30, v3  }
0x158: {  	v14 =	vadd.f32 v18, v14  }
0x159: {  	v19 =	vadd.s32 $0x30, v4;
	v18 =	vld [tilespmem:s29+$0x3230]  }
0x15a: {  	[tilespmem:s29+$0x3220] =	vst v14  }
0x15b: {  	v14 =	vld.idx.msk [tilespmem:v15+s30+$0x0], $0xffff  }
0x15c: {  	v15 =	vld.idx.msk [tilespmem:v17+s0+$0x0], $0xffff;
	_ =	sdelay $0x1  }
0x15d: {  	v16 =	vadd.f32 v16, v18;
	v17 =	vld.idx.msk [tilespmem:v19+s7+$0x0], $0xffff;
	_ =	sdelay $0x2  }
0x15e: {  	v14 =	vadd.f32 v14, v16  }
0x15f: {  	v16 =	vadd.s32 $0x40, v5  }
0x160: {  	v14 =	vadd.f32 v15, v14  }
0x161: {  	v15 =	vadd.s32 $0x40, v3  }
0x162: {  	v14 =	vadd.f32 v17, v14;
	v17 =	vld [tilespmem:s29+$0x5240]  }
0x163: {  	v19 =	vadd.s32 $0x40, v4;
	v18 =	vld [tilespmem:s29+$0x3240]  }
0x164: {  	[tilespmem:s29+$0x3230] =	vst v14  }
0x165: {  	v14 =	vld.idx.msk [tilespmem:v16+s30+$0x0], $0xffff  }
0x166: {  	v15 =	vld.idx.msk [tilespmem:v15+s0+$0x0], $0xffff;
	_ =	sdelay $0x1  }
0x167: {  	v16 =	vadd.f32 v17, v18;
	v17 =	vld.idx.msk [tilespmem:v19+s7+$0x0], $0xffff;
	_ =	sdelay $0x2  }
0x168: {  	v14 =	vadd.f32 v14, v16  }
0x169: {  	v16 =	vadd.s32 $0x50, v5  }
0x16a: {  	v14 =	vadd.f32 v15, v14  }
0x16b: {  	v15 =	vadd.s32 $0x50, v3  }
0x16c: {  	v14 =	vadd.f32 v17, v14;
	v17 =	vld [tilespmem:s29+$0x5250]  }
0x16d: {  	v19 =	vadd.s32 $0x50, v4;
	v18 =	vld [tilespmem:s29+$0x3250]  }
0x16e: {  	[tilespmem:s29+$0x3240] =	vst v14  }
0x16f: {  	v14 =	vld.idx.msk [tilespmem:v16+s30+$0x0], $0xffff  }
0x170: {  	v15 =	vld.idx.msk [tilespmem:v15+s0+$0x0], $0xffff;
	_ =	sdelay $0x1  }
0x171: {  	v16 =	vadd.f32 v17, v18;
	v17 =	vld.idx.msk [tilespmem:v19+s7+$0x0], $0xffff;
	_ =	sdelay $0x2  }
0x172: {  	v14 =	vadd.f32 v14, v16  }
0x173: {  	v16 =	vadd.s32 $0x60, v5  }
0x174: {  	v14 =	vadd.f32 v15, v14  }
0x175: {  	v15 =	vadd.s32 $0x60, v3  }
0x176: {  	v14 =	vadd.f32 v17, v14  }
0x177: {  	v18 =	vadd.s32 $0x60, v4;
	v17 =	vld [tilespmem:s29+$0x3260]  }
0x178: {  	[tilespmem:s29+$0x3250] =	vst v14  }
0x179: {  	v14 =	vld.idx.msk [tilespmem:v16+s30+$0x0], $0xffff  }
0x17a: {  	v15 =	vld.idx.msk [tilespmem:v15+s0+$0x0], $0xffff;
	_ =	sdelay $0x1  }
0x17b: {  	v13 =	vadd.f32 v13, v17;
	v16 =	vld.idx.msk [tilespmem:v18+s7+$0x0], $0xffff;
	_ =	sdelay $0x2  }
0x17c: {  	v13 =	vadd.f32 v14, v13  }
0x17d: {  	v14 =	vadd.s32 $0x70, v5  }
0x17e: {  	v13 =	vadd.f32 v15, v13  }
0x17f: {  	v15 =	vadd.s32 $0x70, v3  }
0x180: {  	v13 =	vadd.f32 v16, v13  }
0x181: {  	v17 =	vadd.s32 $0x70, v4;
	v16 =	vld [tilespmem:s29+$0x3270]  }
0x182: {  	[tilespmem:s29+$0x3260] =	vst v13  }
0x183: {  	v13 =	vld.idx.msk [tilespmem:v14+s30+$0x0], $0xffff  }
0x184: {  	v14 =	vld.idx.msk [tilespmem:v15+s0+$0x0], $0xffff;
	_ =	sdelay $0x1  }
0x185: {  	v12 =	vadd.f32 v12, v16;
	v15 =	vld.idx.msk [tilespmem:v17+s7+$0x0], $0xffff;
	_ =	sdelay $0x2  }
0x186: {  	v12 =	vadd.f32 v13, v12  }
0x187: {  	v13 =	vadd.s32 $0x80, v5  }
0x188: {  	v12 =	vadd.f32 v14, v12  }
0x189: {  	v14 =	vadd.s32 $0x80, v3  }
0x18a: {  	v12 =	vadd.f32 v15, v12  }
0x18b: {  	v16 =	vadd.s32 $0x80, v4;
	v15 =	vld [tilespmem:s29+$0x3600]  }
0x18c: {  	[tilespmem:s29+$0x3270] =	vst v12  }
0x18d: {  	v12 =	vld.idx.msk [tilespmem:v13+s30+$0x0], $0xffff  }
0x18e: {  	v13 =	vld.idx.msk [tilespmem:v14+s0+$0x0], $0xffff;
	_ =	sdelay $0x1  }
0x18f: {  	v11 =	vadd.f32 v11, v15;
	v14 =	vld.idx.msk [tilespmem:v16+s7+$0x0], $0xffff;
	_ =	sdelay $0x2  }
0x190: {  	v11 =	vadd.f32 v12, v11  }
0x191: {  	v12 =	vadd.s32 $0x90, v5  }
0x192: {  	v11 =	vadd.f32 v13, v11  }
0x193: {  	v13 =	vadd.s32 $0x90, v3  }
0x194: {  	v11 =	vadd.f32 v14, v11;
	v14 =	vadd.s32 $0x90, v4  }
0x195: {  	v15 =	vld [tilespmem:s29+$0x3610]  }
0x196: {  	[tilespmem:s29+$0x3600] =	vst v11  }
0x197: {  	v11 =	vld.idx.msk [tilespmem:v12+s30+$0x0], $0xffff  }
0x198: {  	v12 =	vld.idx.msk [tilespmem:v13+s0+$0x0], $0xffff  }
0x199: {  	v13 =	vld.idx.msk [tilespmem:v14+s7+$0x0], $0xffff  }
0x19a: {  	v10 =	vadd.f32 v10, v15;
	_ =	sdelay $0x2  }
0x19b: {  	v10 =	vadd.f32 v11, v10  }
0x19c: {  	v11 =	vadd.s32 $0xA0, v5  }
0x19d: {  	v10 =	vadd.f32 v12, v10  }
0x19e: {  	v12 =	vadd.s32 $0xA0, v3  }
0x19f: {  	v10 =	vadd.f32 v13, v10;
	v13 =	vadd.s32 $0xA0, v4  }
0x1a0: {  	v14 =	vld [tilespmem:s29+$0x3620]  }
0x1a1: {  	[tilespmem:s29+$0x3610] =	vst v10  }
0x1a2: {  	v10 =	vld.idx.msk [tilespmem:v11+s30+$0x0], $0xffff  }
0x1a3: {  	v11 =	vld.idx.msk [tilespmem:v12+s0+$0x0], $0xffff  }
0x1a4: {  	v12 =	vld.idx.msk [tilespmem:v13+s7+$0x0], $0xffff  }
0x1a5: {  	v9 =	vadd.f32 v9, v14;
	_ =	sdelay $0x2  }
0x1a6: {  	v9 =	vadd.f32 v10, v9  }
0x1a7: {  	v10 =	vadd.s32 $0xB0, v5  }
0x1a8: {  	v9 =	vadd.f32 v11, v9  }
0x1a9: {  	v11 =	vadd.s32 $0xB0, v3  }
0x1aa: {  	v13 =	vadd.s32 $0xB0, v4;
	v9 =	vadd.f32 v12, v9;
	v12 =	vld [tilespmem:s29+$0x5630]  }
0x1ab: {  	v14 =	vld [tilespmem:s29+$0x3630]  }
0x1ac: {  	[tilespmem:s29+$0x3620] =	vst v9  }
0x1ad: {  	v9 =	vld.idx.msk [tilespmem:v10+s30+$0x0], $0xffff  }
0x1ae: {  	v10 =	vld.idx.msk [tilespmem:v11+s0+$0x0], $0xffff  }
0x1af: {  	v11 =	vld.idx.msk [tilespmem:v13+s7+$0x0], $0xffff  }
0x1b0: {  	v12 =	vadd.f32 v12, v14;
	_ =	sdelay $0x2  }
0x1b1: {  	v9 =	vadd.f32 v9, v12  }
0x1b2: {  	v12 =	vadd.s32 $0xC0, v5  }
0x1b3: {  	v9 =	vadd.f32 v10, v9  }
0x1b4: {  	v10 =	vadd.s32 $0xC0, v3  }
0x1b5: {  	v9 =	vadd.f32 v11, v9;
	v11 =	vadd.s32 $0xC0, v4  }
0x1b6: {  	v13 =	vld [tilespmem:s29+$0x3640]  }
0x1b7: {  	[tilespmem:s29+$0x3630] =	vst v9  }
0x1b8: {  	v9 =	vld.idx.msk [tilespmem:v12+s30+$0x0], $0xffff  }
0x1b9: {  	v10 =	vld.idx.msk [tilespmem:v10+s0+$0x0], $0xffff  }
0x1ba: {  	v11 =	vld.idx.msk [tilespmem:v11+s7+$0x0], $0xffff  }
0x1bb: {  	v8 =	vadd.f32 v8, v13;
	_ =	sdelay $0x2  }
0x1bc: {  	v8 =	vadd.f32 v9, v8  }
0x1bd: {  	v9 =	vadd.s32 $0xD0, v5  }
0x1be: {  	v8 =	vadd.f32 v10, v8  }
0x1bf: {  	v10 =	vadd.s32 $0xD0, v3  }
0x1c0: {  	v12 =	vadd.s32 $0xD0, v4;
	v8 =	vadd.f32 v11, v8;
	v11 =	vld [tilespmem:s29+$0x5650]  }
0x1c1: {  	v13 =	vld [tilespmem:s29+$0x3650]  }
0x1c2: {  	[tilespmem:s29+$0x3640] =	vst v8  }
0x1c3: {  	v8 =	vld.idx.msk [tilespmem:v9+s30+$0x0], $0xffff  }
0x1c4: {  	v9 =	vld.idx.msk [tilespmem:v10+s0+$0x0], $0xffff  }
0x1c5: {  	v10 =	vld.idx.msk [tilespmem:v12+s7+$0x0], $0xffff  }
0x1c6: {  	v11 =	vadd.f32 v11, v13;
	_ =	sdelay $0x2  }
0x1c7: {  	v8 =	vadd.f32 v8, v11  }
0x1c8: {  	v11 =	vadd.s32 $0xE0, v5  }
0x1c9: {  	v8 =	vadd.f32 v9, v8  }
0x1ca: {  	v9 =	vadd.s32 $0xE0, v3  }
0x1cb: {  	v8 =	vadd.f32 v10, v8;
	v10 =	vadd.s32 $0xE0, v4  }
0x1cc: {  	v12 =	vld [tilespmem:s29+$0x3660]  }
0x1cd: {  	[tilespmem:s29+$0x3650] =	vst v8  }
0x1ce: {  	v8 =	vld.idx.msk [tilespmem:v11+s30+$0x0], $0xffff  }
0x1cf: {  	v9 =	vld.idx.msk [tilespmem:v9+s0+$0x0], $0xffff  }
0x1d0: {  	v10 =	vld.idx.msk [tilespmem:v10+s7+$0x0], $0xffff  }
0x1d1: {  	v7 =	vadd.f32 v7, v12;
	_ =	sdelay $0x2  }
0x1d2: {  	v7 =	vadd.f32 v8, v7  }
0x1d3: {  	v5 =	vadd.s32 $0xF0, v5  }
0x1d4: {  	v7 =	vadd.f32 v9, v7  }
0x1d5: {  	v3 =	vadd.s32 $0xF0, v3  }
0x1d6: {  	v4 =	vadd.s32 $0xF0, v4;
	v7 =	vadd.f32 v10, v7  }
0x1d7: {  	v8 =	vld [tilespmem:s29+$0x3670]  }
0x1d8: {  	[tilespmem:s29+$0x3660] =	vst v7  }
0x1d9: {  	v5 =	vld.idx.msk [tilespmem:v5+s30+$0x0], $0xffff  }
0x1da: {  	v3 =	vld.idx.msk [tilespmem:v3+s0+$0x0], $0xffff  }
0x1db: {  	v4 =	vld.idx.msk [tilespmem:v4+s7+$0x0], $0xffff  }
0x1dc: {  	v6 =	vadd.f32 v6, v8;
	_ =	sdelay $0x2  }
.Ltmp2:
0x1dd: {  	v5 =	vadd.f32 v5, v6;
	(pc) =	sbr.rel @p0 .LBB2_3-.Ltmp2, $3  }
0x1de: {  	_ = 	snop  }
0x1df: {  	v3 =	vadd.f32 v3, v5;
	_ =	sdelay $0x1  }
0x1e0: {  	s13 =	sadd.s32 $0x80, s13;
	v3 =	vadd.f32 v4, v3  }
0x1e1: {  	p0 =	seq.s32 s26, $0x1F  }
.Ltmp3:
0x1e2: {  	_ = 	snop;
	(pc) =	sbr.rel @!p0 .LBB2_5-.Ltmp3, $4  }
0x1e3: {  	s8 =	sshll.u32 s26, $0xA  }
0x1e4: {  	s20 =	sadd.s32 s25, s8  }
0x1e5: {  	[tilespmem:s29+$0x3670] =	vst v3;
	s8 =	sadd.s32 s23, s20  }
0x1e6: {  	[hbm4b:s8+s4] =	stream.linear.scatter [tilespmem:s15], [sflag:$0x5], $0x1000, $0x38;
	[tilespmem:$0x17900] =	vst v63  }
0x1e7: {  	_ =	swait.ge [sflag:s17], $0x1000  }
.Ltmp4:
0x1e8: {  	[sflag:s17] =	ssyncset.done $0x0;
	(pc) =	sbr.rel .LBB2_7-.Ltmp4, $4  }
0x1e9: {  	[sflag:s17] =	ssyncadd.s32 $0xFFFFF000  }
0x1ea: {  	_ =	swait.ge [sflag:s17], $0x1000  }
0x1eb: {  	[sflag:s17] =	ssyncset.done $0x0  }
0x1ec: {  	[sflag:s17] =	ssyncadd.s32 $0xFFFFF000  }
.LBB2_5:
0x1ed: {  	s3 =	rddreg [dreg:$0x12]  }
0x1ee: {  	s8 =	sadd.s32 s19, s3  }
0x1ef: {  	s13 =	sshrl.u32 s8, $0x3  }
0x1f0: {  	s16 =	sadd.s32 s9, s13  }
0x1f1: {  	[tilespmem:s4], [sflag:$0x1] =	stream.linear.gather [hbm4b:s16+s4], $0x10, $0x38;
	[tilespmem:$0x17900] =	vst v63  }
0x1f2: {  	s29 =	simm.s32 $0x100;
	s13 =	sadd.s32 s12, s13  }
0x1f3: {  	[tilespmem:s29], [sflag:$0x1] =	stream.linear.gather [hbm4b:s13+s4], $0x10, $0x38;
	[tilespmem:$0x17900] =	vst v63  }
0x1f4: {  	s8 =	sshll.u32 s8, $0x4;
	s13 =	rddreg [dreg:$0x3]  }
0x1f5: {  	s21 =	simm.s32 $0x200;
	s16 =	sadd.s32 s13, s8  }
0x1f6: {  	[tilespmem:s21], [sflag:$0x1] =	stream.linear.gather [hbm4b:s16+s4], $0x800, $0x38;
	[tilespmem:$0x17900] =	vst v63  }
0x1f7: {  	s22 =	sadd.s32 s10, s8;
	s29 =	simm.s32 $0x1200  }
0x1f8: {  	[tilespmem:s29], [sflag:$0x1] =	stream.linear.gather [hbm4b:s22+s4], $0x800, $0x38;
	[tilespmem:$0x17900] =	vst v63  }
0x1f9: {  	s8 =	sadd.s32 s11, s8;
	s16 =	simm.s32 $0x2200  }
0x1fa: {  	[tilespmem:s16], [sflag:$0x1] =	stream.linear.gather [hbm4b:s8+s4], $0x800, $0x38;
	[tilespmem:$0x17900] =	vst v63  }
0x1fb: {  	_ =	swait.ge [sflag:s17], $0x1000  }
0x1fc: {  	[sflag:s17] =	ssyncset.done $0x0  }
0x1fd: {  	[sflag:s17] =	ssyncadd.s32 $0xFFFFF000  }
0x1fe: {  	_ =	swait.ge [sflag:s17], $0x1000  }
0x1ff: {  	[sflag:s17] =	ssyncset.done $0x0  }
0x200: {  	[sflag:s17] =	ssyncadd.s32 $0xFFFFF000  }
0x201: {  	_ =	swait.ge [sflag:s14], $0x10  }
0x202: {  	[sflag:s14] =	ssyncset.done $0x0  }
0x203: {  	[sflag:s14] =	ssyncadd.s32 $0xFFFFFFF0  }
0x204: {  	_ =	swait.ge [sflag:s14], $0x10  }
0x205: {  	[sflag:s14] =	ssyncset.done $0x0  }
0x206: {  	[sflag:s14] =	ssyncadd.s32 $0xFFFFFFF0  }
0x207: {  	_ =	swait.ge [sflag:s14], $0x800  }
0x208: {  	[sflag:s14] =	ssyncset.done $0x0  }
0x209: {  	[sflag:s14] =	ssyncadd.s32 $0xFFFFF800  }
0x20a: {  	_ =	swait.ge [sflag:s14], $0x800  }
0x20b: {  	[sflag:s14] =	ssyncset.done $0x0  }
0x20c: {  	[sflag:s14] =	ssyncadd.s32 $0xFFFFF800  }
0x20d: {  	_ =	swait.ge [sflag:s14], $0x800  }
0x20e: {  	[sflag:s14] =	ssyncset.done $0x0  }
0x20f: {  	[sflag:s14] =	ssyncadd.s32 $0xFFFFF800  }
0x210: {  	_ =	swait.ge [sflag:s18], $0x1000  }
0x211: {  	[sflag:s18] =	ssyncset.done $0x0  }
0x212: {  	[sflag:s18] =	ssyncadd.s32 $0xFFFFF000  }
0x213: {  	v3 =	vld [tilespmem:$0x0];
	_ =	sdelay $0x4  }
0x214: {  	v4 =	vshll.u32 v3, $0x1  }
0x215: {  	v3 =	vand.u32 $0x7, v3;
	v4 =	vand.u32 $0xFFFFFFF0, v4  }
0x216: {  	v3 =	vor.u32 v3, v4  }
0x217: {  	v4 =	vperm.xlane v3, v0;
	_ =	sdelay $0x1  }
0x218: {  	v3 =	vperm.xlane v3, v2;
	v4 =	vadd.s32 v1, v4;
	_ =	sdelay $0x1  }
0x219: {  	v3 =	vadd.s32 v1, v3;
	_ =	sdelay $0x2  }
0x21a: {  	[tilespmem:s15], [sflag:$0x3] =	stream.indirect_vreg.gather [hbm4b:s1+s4], $0x80, v4, vm0, $0xb8;
	[tilespmem:$0x17900] =	vst v63  }
0x21b: {  	s21 =	simm.s32 $0x3A00  }
0x21c: {  	[tilespmem:s21], [sflag:$0x3] =	stream.indirect_vreg.gather [hbm4b:s1+s4], $0x80, v3, vm0, $0xb8;
	[tilespmem:$0x17900] =	vst v63  }
0x21d: {  	v3 =	vld [tilespmem:$0x100];
	_ =	sdelay $0x4  }
0x21e: {  	v63 =	vshll.u32 v3, $0x1  }
0x21f: {  	v3 =	vand.u32 $0x7, v3;
	v4 =	vand.u32 $0xFFFFFFF0, v63  }
0x220: {  	v3 =	vor.u32 v3, v4  }
0x221: {  	v4 =	vperm.xlane v3, v0;
	_ =	sdelay $0x1  }
0x222: {  	v3 =	vperm.xlane v3, v2;
	v4 =	vadd.s32 v1, v4;
	_ =	sdelay $0x1  }
0x223: {  	v3 =	vadd.s32 v1, v3;
	_ =	sdelay $0x1  }
0x224: {  	s22 =	simm.s32 $0x5200  }
0x225: {  	[tilespmem:s22], [sflag:$0x3] =	stream.indirect_vreg.gather [hbm4b:s2+s4], $0x80, v4, vm0, $0xb8;
	[tilespmem:$0x17900] =	vst v63  }
0x226: {  	s29 =	simm.s32 $0x5A00  }
0x227: {  	[tilespmem:s29], [sflag:$0x3] =	stream.indirect_vreg.gather [hbm4b:s2+s4], $0x80, v3, vm0, $0xb8;
	[tilespmem:$0x17900] =	vst v63  }
.LBB2_7:
0x228: {  	s21 =	simm.s32 $0xA00  }
0x229: {  	v5 =	vld [tilespmem:s21+$0x0]  }
0x22a: {  	s22 =	simm.s32 $0x1A00  }
0x22b: {  	s29 =	simm.s32 $0x0;
	v3 =	vld [tilespmem:s22+$0x0]  }
0x22c: {  	s8 =	simm.s32 $0x2A00;
	s16 =	sand.u32 $0x800, s29;
	s13 =	sand.u32 $0x380, s29  }
0x22d: {  	v4 =	vld [tilespmem:s8+$0x0];
	s8 =	sor.u32 s13, s16  }
0x22e: {  	v6 =	vld [tilespmem:s8+$0x4200]  }
0x22f: {  	v7 =	vld [tilespmem:s8+$0x6200];
	_ =	sdelay $0x1  }
0x230: {  	v8 =	vld.idx.msk [tilespmem:v5+s30+$0x0], $0xffff;
	_ =	sdelay $0x1  }
0x231: {  	v9 =	vld.idx.msk [tilespmem:v3+s0+$0x0], $0xffff  }
0x232: {  	v6 =	vadd.f32 v7, v6  }
0x233: {  	v11 =	vld.idx.msk [tilespmem:v4+s7+$0x0], $0xffff  }
0x234: {  	v6 =	vadd.f32 v8, v6;
	_ =	sdelay $0x1  }
0x235: {  	v23 =	vadd.s32 $0x10, v5;
	v6 =	vadd.f32 v9, v6;
	_ =	sdelay $0x1  }
0x236: {  	v25 =	vld [tilespmem:s8+$0x6210];
	v24 =	vadd.s32 $0x10, v3;
	v6 =	vadd.f32 v11, v6  }
0x237: {  	v17 =	vld [tilespmem:s8+$0x4210]  }
0x238: {  	v18 =	vadd.s32 $0x10, v4;
	[tilespmem:s8+$0x4200] =	vst v6  }
0x239: {  	v6 =	vld.idx.msk [tilespmem:v23+s30+$0x0], $0xffff;
	_ =	sdelay $0x1  }
0x23a: {  	v26 =	vld.idx.msk [tilespmem:v24+s0+$0x0], $0xffff  }
0x23b: {  	v27 =	vadd.f32 v25, v17  }
0x23c: {  	v28 =	vld.idx.msk [tilespmem:v18+s7+$0x0], $0xffff  }
0x23d: {  	v6 =	vadd.f32 v6, v27;
	_ =	sdelay $0x1  }
0x23e: {  	v29 =	vadd.s32 $0x20, v5;
	v30 =	vadd.f32 v26, v6;
	_ =	sdelay $0x1  }
0x23f: {  	v10 =	vld [tilespmem:s8+$0x6220];
	v19 =	vadd.s32 $0x20, v3;
	v11 =	vadd.f32 v28, v30  }
0x240: {  	v31 =	vld [tilespmem:s8+$0x4220]  }
0x241: {  	v20 =	vadd.s32 $0x20, v4;
	[tilespmem:s8+$0x4210] =	vst v11  }
0x242: {  	v11 =	vld.idx.msk [tilespmem:v29+s30+$0x0], $0xffff;
	_ =	sdelay $0x1  }
0x243: {  	v32 =	vld.idx.msk [tilespmem:v19+s0+$0x0], $0xffff  }
0x244: {  	v10 =	vadd.f32 v10, v31  }
0x245: {  	v33 =	vld.idx.msk [tilespmem:v20+s7+$0x0], $0xffff  }
0x246: {  	v10 =	vadd.f32 v11, v10;
	_ =	sdelay $0x1  }
0x247: {  	v34 =	vadd.s32 $0x30, v5;
	v10 =	vadd.f32 v32, v10;
	_ =	sdelay $0x1  }
0x248: {  	v12 =	vld [tilespmem:s8+$0x6230];
	v35 =	vadd.s32 $0x30, v3;
	v10 =	vadd.f32 v33, v10  }
0x249: {  	v36 =	vld [tilespmem:s8+$0x4230]  }
0x24a: {  	v37 =	vadd.s32 $0x30, v4;
	[tilespmem:s8+$0x4220] =	vst v10  }
0x24b: {  	v10 =	vld.idx.msk [tilespmem:v34+s30+$0x0], $0xffff;
	_ =	sdelay $0x1  }
0x24c: {  	v38 =	vld.idx.msk [tilespmem:v35+s0+$0x0], $0xffff  }
0x24d: {  	v12 =	vadd.f32 v12, v36  }
0x24e: {  	v39 =	vld.idx.msk [tilespmem:v37+s7+$0x0], $0xffff  }
0x24f: {  	v10 =	vadd.f32 v10, v12;
	_ =	sdelay $0x1  }
0x250: {  	v40 =	vadd.s32 $0x40, v5;
	v10 =	vadd.f32 v38, v10;
	_ =	sdelay $0x1  }
0x251: {  	v42 =	vld [tilespmem:s8+$0x6240];
	v41 =	vadd.s32 $0x40, v3;
	v10 =	vadd.f32 v39, v10  }
0x252: {  	v43 =	vld [tilespmem:s8+$0x4240]  }
0x253: {  	v44 =	vadd.s32 $0x40, v4;
	[tilespmem:s8+$0x4230] =	vst v10  }
0x254: {  	v10 =	vld.idx.msk [tilespmem:v40+s30+$0x0], $0xffff;
	_ =	sdelay $0x1  }
0x255: {  	v11 =	vld.idx.msk [tilespmem:v41+s0+$0x0], $0xffff  }
0x256: {  	v45 =	vadd.f32 v42, v43  }
0x257: {  	v46 =	vld.idx.msk [tilespmem:v44+s7+$0x0], $0xffff  }
0x258: {  	v10 =	vadd.f32 v10, v45;
	_ =	sdelay $0x1  }
0x259: {  	v47 =	vadd.s32 $0x50, v5;
	v10 =	vadd.f32 v11, v10;
	_ =	sdelay $0x1  }
0x25a: {  	v49 =	vld [tilespmem:s8+$0x6250];
	v48 =	vadd.s32 $0x50, v3;
	v10 =	vadd.f32 v46, v10  }
0x25b: {  	v50 =	vld [tilespmem:s8+$0x4250]  }
0x25c: {  	v51 =	vadd.s32 $0x50, v4;
	[tilespmem:s8+$0x4240] =	vst v10  }
0x25d: {  	v10 =	vld.idx.msk [tilespmem:v47+s30+$0x0], $0xffff;
	_ =	sdelay $0x1  }
0x25e: {  	v11 =	vld.idx.msk [tilespmem:v48+s0+$0x0], $0xffff  }
0x25f: {  	v52 =	vadd.f32 v49, v50  }
0x260: {  	v53 =	vld.idx.msk [tilespmem:v51+s7+$0x0], $0xffff  }
0x261: {  	v10 =	vadd.f32 v10, v52;
	_ =	sdelay $0x1  }
0x262: {  	v54 =	vadd.s32 $0x60, v5;
	v10 =	vadd.f32 v11, v10;
	_ =	sdelay $0x1  }
0x263: {  	v13 =	vld [tilespmem:s8+$0x6260];
	v55 =	vadd.s32 $0x60, v3;
	v10 =	vadd.f32 v53, v10  }
0x264: {  	v56 =	vld [tilespmem:s8+$0x4260]  }
0x265: {  	v57 =	vadd.s32 $0x60, v4;
	[tilespmem:s8+$0x4250] =	vst v10  }
0x266: {  	v10 =	vld.idx.msk [tilespmem:v54+s30+$0x0], $0xffff;
	_ =	sdelay $0x1  }
0x267: {  	v11 =	vld.idx.msk [tilespmem:v55+s0+$0x0], $0xffff  }
0x268: {  	v58 =	vadd.f32 v13, v56  }
0x269: {  	v59 =	vld.idx.msk [tilespmem:v57+s7+$0x0], $0xffff  }
0x26a: {  	v10 =	vadd.f32 v10, v58;
	_ =	sdelay $0x1  }
0x26b: {  	v60 =	vadd.s32 $0x70, v5;
	v10 =	vadd.f32 v11, v10;
	_ =	sdelay $0x1  }
0x26c: {  	v14 =	vld [tilespmem:s8+$0x6270];
	v61 =	vadd.s32 $0x70, v3;
	v10 =	vadd.f32 v59, v10  }
0x26d: {  	v62 =	vld [tilespmem:s8+$0x4270]  }
0x26e: {  	v63 =	vadd.s32 $0x70, v4;
	[tilespmem:s8+$0x4260] =	vst v10  }
0x26f: {  	v10 =	vld.idx.msk [tilespmem:v60+s30+$0x0], $0xffff;
	_ =	sdelay $0x1  }
0x270: {  	v11 =	vld.idx.msk [tilespmem:v61+s0+$0x0], $0xffff  }
0x271: {  	v18 =	vadd.f32 v14, v62  }
0x272: {  	v19 =	vld.idx.msk [tilespmem:v63+s7+$0x0], $0xffff  }
0x273: {  	v10 =	vadd.f32 v10, v18;
	_ =	sdelay $0x1  }
0x274: {  	v20 =	vadd.s32 $0x80, v5;
	v10 =	vadd.f32 v11, v10;
	_ =	sdelay $0x1  }
0x275: {  	v15 =	vld [tilespmem:s8+$0x6600];
	v21 =	vadd.s32 $0x80, v3;
	v10 =	vadd.f32 v19, v10  }
0x276: {  	v22 =	vld [tilespmem:s8+$0x4600]  }
0x277: {  	v23 =	vadd.s32 $0x80, v4;
	[tilespmem:s8+$0x4270] =	vst v10  }
0x278: {  	v10 =	vld.idx.msk [tilespmem:v20+s30+$0x0], $0xffff;
	_ =	sdelay $0x1  }
0x279: {  	v11 =	vld.idx.msk [tilespmem:v21+s0+$0x0], $0xffff  }
0x27a: {  	v24 =	vadd.f32 v15, v22  }
0x27b: {  	v25 =	vld.idx.msk [tilespmem:v23+s7+$0x0], $0xffff  }
0x27c: {  	v10 =	vadd.f32 v10, v24;
	_ =	sdelay $0x1  }
0x27d: {  	v26 =	vadd.s32 $0x90, v5;
	v10 =	vadd.f32 v11, v10;
	_ =	sdelay $0x1  }
0x27e: {  	v9 =	vld [tilespmem:s8+$0x6610];
	v27 =	vadd.s32 $0x90, v3;
	v10 =	vadd.f32 v25, v10  }
0x27f: {  	v28 =	vld [tilespmem:s8+$0x4610]  }
0x280: {  	v29 =	vadd.s32 $0x90, v4;
	[tilespmem:s8+$0x4600] =	vst v10  }
0x281: {  	v10 =	vld.idx.msk [tilespmem:v26+s30+$0x0], $0xffff;
	_ =	sdelay $0x1  }
0x282: {  	v11 =	vld.idx.msk [tilespmem:v27+s0+$0x0], $0xffff  }
0x283: {  	v9 =	vadd.f32 v9, v28  }
0x284: {  	v30 =	vld.idx.msk [tilespmem:v29+s7+$0x0], $0xffff  }
0x285: {  	v9 =	vadd.f32 v10, v9;
	_ =	sdelay $0x1  }
0x286: {  	v31 =	vadd.s32 $0xA0, v5;
	v9 =	vadd.f32 v11, v9;
	_ =	sdelay $0x1  }
0x287: {  	v16 =	vld [tilespmem:s8+$0x6620];
	v32 =	vadd.s32 $0xA0, v3;
	v9 =	vadd.f32 v30, v9  }
0x288: {  	v33 =	vld [tilespmem:s8+$0x4620]  }
0x289: {  	v34 =	vadd.s32 $0xA0, v4;
	[tilespmem:s8+$0x4610] =	vst v9  }
0x28a: {  	v9 =	vld.idx.msk [tilespmem:v31+s30+$0x0], $0xffff;
	_ =	sdelay $0x1  }
0x28b: {  	v35 =	vld.idx.msk [tilespmem:v32+s0+$0x0], $0xffff  }
0x28c: {  	v36 =	vadd.f32 v16, v33  }
0x28d: {  	v37 =	vld.idx.msk [tilespmem:v34+s7+$0x0], $0xffff  }
0x28e: {  	v9 =	vadd.f32 v9, v36;
	_ =	sdelay $0x1  }
0x28f: {  	v38 =	vadd.s32 $0xB0, v5;
	v9 =	vadd.f32 v35, v9;
	_ =	sdelay $0x1  }
0x290: {  	v39 =	vadd.s32 $0xB0, v3;
	v40 =	vld [tilespmem:s8+$0x6630];
	v9 =	vadd.f32 v37, v9  }
0x291: {  	v41 =	vld [tilespmem:s8+$0x4630]  }
0x292: {  	v42 =	vadd.s32 $0xB0, v4;
	[tilespmem:s8+$0x4620] =	vst v9  }
0x293: {  	v9 =	vld.idx.msk [tilespmem:v38+s30+$0x0], $0xffff;
	_ =	sdelay $0x1  }
0x294: {  	v10 =	vld.idx.msk [tilespmem:v39+s0+$0x0], $0xffff  }
0x295: {  	v43 =	vadd.f32 v40, v41  }
0x296: {  	v44 =	vld.idx.msk [tilespmem:v42+s7+$0x0], $0xffff  }
0x297: {  	v9 =	vadd.f32 v9, v43;
	_ =	sdelay $0x1  }
0x298: {  	v45 =	vadd.s32 $0xC0, v5;
	v9 =	vadd.f32 v10, v9;
	_ =	sdelay $0x1  }
0x299: {  	v8 =	vld [tilespmem:s8+$0x6640];
	v46 =	vadd.s32 $0xC0, v3;
	v9 =	vadd.f32 v44, v9  }
0x29a: {  	v47 =	vld [tilespmem:s8+$0x4640]  }
0x29b: {  	v48 =	vadd.s32 $0xC0, v4;
	[tilespmem:s8+$0x4630] =	vst v9  }
0x29c: {  	v9 =	vld.idx.msk [tilespmem:v45+s30+$0x0], $0xffff;
	_ =	sdelay $0x1  }
0x29d: {  	v10 =	vld.idx.msk [tilespmem:v46+s0+$0x0], $0xffff  }
0x29e: {  	v8 =	vadd.f32 v8, v47  }
0x29f: {  	v49 =	vld.idx.msk [tilespmem:v48+s7+$0x0], $0xffff  }
0x2a0: {  	v8 =	vadd.f32 v9, v8;
	_ =	sdelay $0x1  }
0x2a1: {  	v50 =	vadd.s32 $0xD0, v5;
	v8 =	vadd.f32 v10, v8;
	_ =	sdelay $0x1  }
0x2a2: {  	v51 =	vadd.s32 $0xD0, v3;
	v52 =	vld [tilespmem:s8+$0x6650];
	v8 =	vadd.f32 v49, v8  }
0x2a3: {  	v53 =	vld [tilespmem:s8+$0x4650]  }
0x2a4: {  	v54 =	vadd.s32 $0xD0, v4;
	[tilespmem:s8+$0x4640] =	vst v8  }
0x2a5: {  	v8 =	vld.idx.msk [tilespmem:v50+s30+$0x0], $0xffff;
	_ =	sdelay $0x1  }
0x2a6: {  	v55 =	vld.idx.msk [tilespmem:v51+s0+$0x0], $0xffff  }
0x2a7: {  	v56 =	vadd.f32 v52, v53  }
0x2a8: {  	v57 =	vld.idx.msk [tilespmem:v54+s7+$0x0], $0xffff  }
0x2a9: {  	v8 =	vadd.f32 v8, v56;
	_ =	sdelay $0x1  }
0x2aa: {  	v58 =	vadd.s32 $0xE0, v5;
	v8 =	vadd.f32 v55, v8;
	_ =	sdelay $0x1  }
0x2ab: {  	v7 =	vld [tilespmem:s8+$0x6660];
	v59 =	vadd.s32 $0xE0, v3;
	v8 =	vadd.f32 v57, v8  }
0x2ac: {  	v60 =	vld [tilespmem:s8+$0x4660]  }
0x2ad: {  	v61 =	vadd.s32 $0xE0, v4;
	[tilespmem:s8+$0x4650] =	vst v8  }
0x2ae: {  	v8 =	vld.idx.msk [tilespmem:v58+s30+$0x0], $0xffff;
	_ =	sdelay $0x1  }
0x2af: {  	v9 =	vld.idx.msk [tilespmem:v59+s0+$0x0], $0xffff  }
0x2b0: {  	v7 =	vadd.f32 v7, v60  }
0x2b1: {  	v62 =	vld.idx.msk [tilespmem:v61+s7+$0x0], $0xffff  }
0x2b2: {  	v7 =	vadd.f32 v8, v7;
	_ =	sdelay $0x1  }
0x2b3: {  	v5 =	vadd.s32 $0xF0, v5;
	v7 =	vadd.f32 v9, v7;
	_ =	sdelay $0x1  }
0x2b4: {  	v6 =	vld [tilespmem:s8+$0x6670];
	v3 =	vadd.s32 $0xF0, v3;
	v7 =	vadd.f32 v62, v7  }
0x2b5: {  	v63 =	vld [tilespmem:s8+$0x4670]  }
0x2b6: {  	v4 =	vadd.s32 $0xF0, v4;
	[tilespmem:s8+$0x4660] =	vst v7  }
0x2b7: {  	v5 =	vld.idx.msk [tilespmem:v5+s30+$0x0], $0xffff;
	_ =	sdelay $0x1  }
0x2b8: {  	v3 =	vld.idx.msk [tilespmem:v3+s0+$0x0], $0xffff  }
0x2b9: {  	v6 =	vadd.f32 v6, v63  }
0x2ba: {  	v4 =	vld.idx.msk [tilespmem:v4+s7+$0x0], $0xffff  }
0x2bb: {  	v5 =	vadd.f32 v5, v6;
	_ =	sdelay $0x1  }
0x2bc: {  	v3 =	vadd.f32 v3, v5;
	_ =	sdelay $0x1  }
0x2bd: {  	s13 =	simm.s32 $0x80;
	s16 =	simm.s32 $0x2A80;
	v3 =	vadd.f32 v4, v3  }
.LBB2_8:
0x2be: {  	s29 =	sadd.s32 $0x100, s29;
	s21 =	sadd.s32 $0x80, s21;
	s22 =	sadd.s32 $0x80, s22  }
0x2bf: {  	p1 =	sne.s32 s13, $0x780;
	[tilespmem:s8+$0x4670] =	vst v3;
	s8 =	smov.u32 s13;
	s13 =	sadd.s32 $0x80, s13  }
0x2c0: {  	v5 =	vld [tilespmem:s21+$0x0]  }
0x2c1: {  	v3 =	vld [tilespmem:s22+$0x0];
	_ =	sdelay $0x1  }
0x2c2: {  	v4 =	vld [tilespmem:s16+$0x0]  }
0x2c3: {  	s3 =	sand.u32 $0x800, s29;
	s8 =	sand.u32 $0x380, s8  }
0x2c4: {  	s8 =	sor.u32 s8, s3  }
0x2c5: {  	v6 =	vld [tilespmem:s8+$0x4200]  }
0x2c6: {  	v7 =	vld [tilespmem:s8+$0x6200]  }
0x2c7: {  	v8 =	vld.idx.msk [tilespmem:v5+s30+$0x0], $0xffff  }
0x2c8: {  	v9 =	vld.idx.msk [tilespmem:v3+s0+$0x0], $0xffff  }
0x2c9: {  	v14 =	vld [tilespmem:s8+$0x6220]  }
0x2ca: {  	v15 =	vld.idx.msk [tilespmem:v4+s7+$0x0], $0xffff  }
0x2cb: {  	v6 =	vadd.f32 v7, v6;
	v16 =	vld [tilespmem:s8+$0x6230]  }
0x2cc: {  	v13 =	vld [tilespmem:s8+$0x6260]  }
0x2cd: {  	v6 =	vadd.f32 v8, v6;
	v12 =	vld [tilespmem:s8+$0x6270]  }
0x2ce: {  	v7 =	vadd.s32 $0x10, v5;
	v11 =	vld [tilespmem:s8+$0x6600]  }
0x2cf: {  	v6 =	vadd.f32 v9, v6;
	v10 =	vld [tilespmem:s8+$0x6610]  }
0x2d0: {  	v17 =	vadd.s32 $0x10, v3;
	v9 =	vld [tilespmem:s8+$0x6620]  }
0x2d1: {  	v6 =	vadd.f32 v15, v6;
	v15 =	vld [tilespmem:s8+$0x6210]  }
0x2d2: {  	v19 =	vadd.s32 $0x10, v4;
	v18 =	vld [tilespmem:s8+$0x4210]  }
0x2d3: {  	[tilespmem:s8+$0x4200] =	vst v6;
	v8 =	vld [tilespmem:s8+$0x6640]  }
0x2d4: {  	v20 =	vld.idx.msk [tilespmem:v7+s30+$0x0], $0xffff  }
0x2d5: {  	v17 =	vld.idx.msk [tilespmem:v17+s0+$0x0], $0xffff  }
0x2d6: {  	v7 =	vld [tilespmem:s8+$0x6660]  }
0x2d7: {  	v15 =	vadd.f32 v15, v18;
	v18 =	vld.idx.msk [tilespmem:v19+s7+$0x0], $0xffff  }
0x2d8: {  	v6 =	vld [tilespmem:s8+$0x6670];
	_ =	sdelay $0x1  }
0x2d9: {  	v15 =	vadd.f32 v20, v15  }
0x2da: {  	v19 =	vadd.s32 $0x20, v5  }
0x2db: {  	v15 =	vadd.f32 v17, v15  }
0x2dc: {  	v17 =	vadd.s32 $0x20, v3  }
0x2dd: {  	v15 =	vadd.f32 v18, v15  }
0x2de: {  	v20 =	vadd.s32 $0x20, v4;
	v18 =	vld [tilespmem:s8+$0x4220]  }
0x2df: {  	[tilespmem:s8+$0x4210] =	vst v15  }
0x2e0: {  	v15 =	vld.idx.msk [tilespmem:v19+s30+$0x0], $0xffff  }
0x2e1: {  	v17 =	vld.idx.msk [tilespmem:v17+s0+$0x0], $0xffff;
	_ =	sdelay $0x1  }
0x2e2: {  	v14 =	vadd.f32 v14, v18;
	v18 =	vld.idx.msk [tilespmem:v20+s7+$0x0], $0xffff;
	_ =	sdelay $0x2  }
0x2e3: {  	v14 =	vadd.f32 v15, v14  }
0x2e4: {  	v15 =	vadd.s32 $0x30, v5  }
0x2e5: {  	v14 =	vadd.f32 v17, v14  }
0x2e6: {  	v17 =	vadd.s32 $0x30, v3  }
0x2e7: {  	v14 =	vadd.f32 v18, v14  }
0x2e8: {  	v19 =	vadd.s32 $0x30, v4;
	v18 =	vld [tilespmem:s8+$0x4230]  }
0x2e9: {  	[tilespmem:s8+$0x4220] =	vst v14  }
0x2ea: {  	v14 =	vld.idx.msk [tilespmem:v15+s30+$0x0], $0xffff  }
0x2eb: {  	v15 =	vld.idx.msk [tilespmem:v17+s0+$0x0], $0xffff;
	_ =	sdelay $0x1  }
0x2ec: {  	v16 =	vadd.f32 v16, v18;
	v17 =	vld.idx.msk [tilespmem:v19+s7+$0x0], $0xffff;
	_ =	sdelay $0x2  }
0x2ed: {  	v14 =	vadd.f32 v14, v16  }
0x2ee: {  	v16 =	vadd.s32 $0x40, v5  }
0x2ef: {  	v14 =	vadd.f32 v15, v14  }
0x2f0: {  	v15 =	vadd.s32 $0x40, v3  }
0x2f1: {  	v14 =	vadd.f32 v17, v14;
	v17 =	vld [tilespmem:s8+$0x6240]  }
0x2f2: {  	v19 =	vadd.s32 $0x40, v4;
	v18 =	vld [tilespmem:s8+$0x4240]  }
0x2f3: {  	[tilespmem:s8+$0x4230] =	vst v14  }
0x2f4: {  	v14 =	vld.idx.msk [tilespmem:v16+s30+$0x0], $0xffff  }
0x2f5: {  	v15 =	vld.idx.msk [tilespmem:v15+s0+$0x0], $0xffff;
	_ =	sdelay $0x1  }
0x2f6: {  	v16 =	vadd.f32 v17, v18;
	v17 =	vld.idx.msk [tilespmem:v19+s7+$0x0], $0xffff;
	_ =	sdelay $0x2  }
0x2f7: {  	v14 =	vadd.f32 v14, v16  }
0x2f8: {  	v16 =	vadd.s32 $0x50, v5  }
0x2f9: {  	v14 =	vadd.f32 v15, v14  }
0x2fa: {  	v15 =	vadd.s32 $0x50, v3  }
0x2fb: {  	v14 =	vadd.f32 v17, v14;
	v17 =	vld [tilespmem:s8+$0x6250]  }
0x2fc: {  	v19 =	vadd.s32 $0x50, v4;
	v18 =	vld [tilespmem:s8+$0x4250]  }
0x2fd: {  	[tilespmem:s8+$0x4240] =	vst v14  }
0x2fe: {  	v14 =	vld.idx.msk [tilespmem:v16+s30+$0x0], $0xffff  }
0x2ff: {  	v15 =	vld.idx.msk [tilespmem:v15+s0+$0x0], $0xffff;
	_ =	sdelay $0x1  }
0x300: {  	v16 =	vadd.f32 v17, v18;
	v17 =	vld.idx.msk [tilespmem:v19+s7+$0x0], $0xffff;
	_ =	sdelay $0x2  }
0x301: {  	v14 =	vadd.f32 v14, v16  }
0x302: {  	v16 =	vadd.s32 $0x60, v5  }
0x303: {  	v14 =	vadd.f32 v15, v14  }
0x304: {  	v15 =	vadd.s32 $0x60, v3  }
0x305: {  	v14 =	vadd.f32 v17, v14  }
0x306: {  	v18 =	vadd.s32 $0x60, v4;
	v17 =	vld [tilespmem:s8+$0x4260]  }
0x307: {  	[tilespmem:s8+$0x4250] =	vst v14  }
0x308: {  	v14 =	vld.idx.msk [tilespmem:v16+s30+$0x0], $0xffff  }
0x309: {  	v15 =	vld.idx.msk [tilespmem:v15+s0+$0x0], $0xffff;
	_ =	sdelay $0x1  }
0x30a: {  	v13 =	vadd.f32 v13, v17;
	v16 =	vld.idx.msk [tilespmem:v18+s7+$0x0], $0xffff;
	_ =	sdelay $0x2  }
0x30b: {  	v13 =	vadd.f32 v14, v13  }
0x30c: {  	v14 =	vadd.s32 $0x70, v5  }
0x30d: {  	v13 =	vadd.f32 v15, v13  }
0x30e: {  	v15 =	vadd.s32 $0x70, v3  }
0x30f: {  	v13 =	vadd.f32 v16, v13  }
0x310: {  	v17 =	vadd.s32 $0x70, v4;
	v16 =	vld [tilespmem:s8+$0x4270]  }
0x311: {  	[tilespmem:s8+$0x4260] =	vst v13  }
0x312: {  	v13 =	vld.idx.msk [tilespmem:v14+s30+$0x0], $0xffff  }
0x313: {  	v14 =	vld.idx.msk [tilespmem:v15+s0+$0x0], $0xffff;
	_ =	sdelay $0x1  }
0x314: {  	v12 =	vadd.f32 v12, v16;
	v15 =	vld.idx.msk [tilespmem:v17+s7+$0x0], $0xffff;
	_ =	sdelay $0x2  }
0x315: {  	v12 =	vadd.f32 v13, v12  }
0x316: {  	v13 =	vadd.s32 $0x80, v5  }
0x317: {  	v12 =	vadd.f32 v14, v12  }
0x318: {  	v14 =	vadd.s32 $0x80, v3  }
0x319: {  	v12 =	vadd.f32 v15, v12  }
0x31a: {  	v16 =	vadd.s32 $0x80, v4;
	v15 =	vld [tilespmem:s8+$0x4600]  }
0x31b: {  	[tilespmem:s8+$0x4270] =	vst v12  }
0x31c: {  	v12 =	vld.idx.msk [tilespmem:v13+s30+$0x0], $0xffff  }
0x31d: {  	v13 =	vld.idx.msk [tilespmem:v14+s0+$0x0], $0xffff;
	_ =	sdelay $0x1  }
0x31e: {  	v11 =	vadd.f32 v11, v15;
	v14 =	vld.idx.msk [tilespmem:v16+s7+$0x0], $0xffff;
	_ =	sdelay $0x2  }
0x31f: {  	v11 =	vadd.f32 v12, v11  }
0x320: {  	v12 =	vadd.s32 $0x90, v5  }
0x321: {  	v11 =	vadd.f32 v13, v11  }
0x322: {  	v13 =	vadd.s32 $0x90, v3  }
0x323: {  	v11 =	vadd.f32 v14, v11;
	v14 =	vadd.s32 $0x90, v4  }
0x324: {  	v15 =	vld [tilespmem:s8+$0x4610]  }
0x325: {  	[tilespmem:s8+$0x4600] =	vst v11  }
0x326: {  	v11 =	vld.idx.msk [tilespmem:v12+s30+$0x0], $0xffff  }
0x327: {  	v12 =	vld.idx.msk [tilespmem:v13+s0+$0x0], $0xffff  }
0x328: {  	v13 =	vld.idx.msk [tilespmem:v14+s7+$0x0], $0xffff  }
0x329: {  	v10 =	vadd.f32 v10, v15;
	_ =	sdelay $0x2  }
0x32a: {  	v10 =	vadd.f32 v11, v10  }
0x32b: {  	v11 =	vadd.s32 $0xA0, v5  }
0x32c: {  	v10 =	vadd.f32 v12, v10  }
0x32d: {  	v12 =	vadd.s32 $0xA0, v3  }
0x32e: {  	v10 =	vadd.f32 v13, v10;
	v13 =	vadd.s32 $0xA0, v4  }
0x32f: {  	v14 =	vld [tilespmem:s8+$0x4620]  }
0x330: {  	[tilespmem:s8+$0x4610] =	vst v10  }
0x331: {  	v10 =	vld.idx.msk [tilespmem:v11+s30+$0x0], $0xffff  }
0x332: {  	v11 =	vld.idx.msk [tilespmem:v12+s0+$0x0], $0xffff  }
0x333: {  	v12 =	vld.idx.msk [tilespmem:v13+s7+$0x0], $0xffff  }
0x334: {  	v9 =	vadd.f32 v9, v14;
	_ =	sdelay $0x2  }
0x335: {  	v9 =	vadd.f32 v10, v9  }
0x336: {  	v10 =	vadd.s32 $0xB0, v5  }
0x337: {  	v9 =	vadd.f32 v11, v9  }
0x338: {  	v11 =	vadd.s32 $0xB0, v3  }
0x339: {  	v13 =	vadd.s32 $0xB0, v4;
	v9 =	vadd.f32 v12, v9;
	v12 =	vld [tilespmem:s8+$0x6630]  }
0x33a: {  	v14 =	vld [tilespmem:s8+$0x4630]  }
0x33b: {  	[tilespmem:s8+$0x4620] =	vst v9  }
0x33c: {  	v9 =	vld.idx.msk [tilespmem:v10+s30+$0x0], $0xffff  }
0x33d: {  	v10 =	vld.idx.msk [tilespmem:v11+s0+$0x0], $0xffff  }
0x33e: {  	v11 =	vld.idx.msk [tilespmem:v13+s7+$0x0], $0xffff  }
0x33f: {  	v12 =	vadd.f32 v12, v14;
	_ =	sdelay $0x2  }
0x340: {  	v9 =	vadd.f32 v9, v12  }
0x341: {  	v12 =	vadd.s32 $0xC0, v5  }
0x342: {  	v9 =	vadd.f32 v10, v9  }
0x343: {  	v10 =	vadd.s32 $0xC0, v3  }
0x344: {  	v9 =	vadd.f32 v11, v9;
	v11 =	vadd.s32 $0xC0, v4  }
0x345: {  	v13 =	vld [tilespmem:s8+$0x4640]  }
0x346: {  	[tilespmem:s8+$0x4630] =	vst v9  }
0x347: {  	v9 =	vld.idx.msk [tilespmem:v12+s30+$0x0], $0xffff  }
0x348: {  	v10 =	vld.idx.msk [tilespmem:v10+s0+$0x0], $0xffff  }
0x349: {  	v11 =	vld.idx.msk [tilespmem:v11+s7+$0x0], $0xffff  }
0x34a: {  	v8 =	vadd.f32 v8, v13;
	_ =	sdelay $0x2  }
0x34b: {  	v8 =	vadd.f32 v9, v8  }
0x34c: {  	v9 =	vadd.s32 $0xD0, v5  }
0x34d: {  	v8 =	vadd.f32 v10, v8  }
0x34e: {  	v10 =	vadd.s32 $0xD0, v3  }
0x34f: {  	v12 =	vadd.s32 $0xD0, v4;
	v8 =	vadd.f32 v11, v8;
	v11 =	vld [tilespmem:s8+$0x6650]  }
0x350: {  	v13 =	vld [tilespmem:s8+$0x4650]  }
0x351: {  	[tilespmem:s8+$0x4640] =	vst v8  }
0x352: {  	v8 =	vld.idx.msk [tilespmem:v9+s30+$0x0], $0xffff  }
0x353: {  	v9 =	vld.idx.msk [tilespmem:v10+s0+$0x0], $0xffff  }
0x354: {  	v10 =	vld.idx.msk [tilespmem:v12+s7+$0x0], $0xffff  }
0x355: {  	v11 =	vadd.f32 v11, v13;
	_ =	sdelay $0x2  }
0x356: {  	v8 =	vadd.f32 v8, v11  }
0x357: {  	v11 =	vadd.s32 $0xE0, v5  }
0x358: {  	v8 =	vadd.f32 v9, v8  }
0x359: {  	v9 =	vadd.s32 $0xE0, v3  }
0x35a: {  	v8 =	vadd.f32 v10, v8;
	v10 =	vadd.s32 $0xE0, v4  }
0x35b: {  	v12 =	vld [tilespmem:s8+$0x4660]  }
0x35c: {  	[tilespmem:s8+$0x4650] =	vst v8  }
0x35d: {  	v8 =	vld.idx.msk [tilespmem:v11+s30+$0x0], $0xffff  }
0x35e: {  	v9 =	vld.idx.msk [tilespmem:v9+s0+$0x0], $0xffff  }
0x35f: {  	v10 =	vld.idx.msk [tilespmem:v10+s7+$0x0], $0xffff  }
0x360: {  	v7 =	vadd.f32 v7, v12;
	_ =	sdelay $0x2  }
0x361: {  	v7 =	vadd.f32 v8, v7  }
0x362: {  	v5 =	vadd.s32 $0xF0, v5  }
0x363: {  	v7 =	vadd.f32 v9, v7  }
0x364: {  	v3 =	vadd.s32 $0xF0, v3  }
0x365: {  	v4 =	vadd.s32 $0xF0, v4;
	v7 =	vadd.f32 v10, v7  }
0x366: {  	v8 =	vld [tilespmem:s8+$0x4670]  }
0x367: {  	[tilespmem:s8+$0x4660] =	vst v7  }
0x368: {  	v5 =	vld.idx.msk [tilespmem:v5+s30+$0x0], $0xffff  }
0x369: {  	v3 =	vld.idx.msk [tilespmem:v3+s0+$0x0], $0xffff  }
0x36a: {  	v4 =	vld.idx.msk [tilespmem:v4+s7+$0x0], $0xffff  }
0x36b: {  	v6 =	vadd.f32 v6, v8;
	_ =	sdelay $0x2  }
.Ltmp5:
0x36c: {  	v5 =	vadd.f32 v5, v6;
	(pc) =	sbr.rel @p1 .LBB2_8-.Ltmp5, $3  }
0x36d: {  	_ = 	snop  }
0x36e: {  	v3 =	vadd.f32 v3, v5;
	_ =	sdelay $0x1  }
0x36f: {  	s16 =	sadd.s32 $0x80, s16;
	v3 =	vadd.f32 v4, v3  }
.Ltmp6:
0x370: {  	(pc) =	sbr.rel @p0 .LBB2_11-.Ltmp6, $3  }
0x371: {  	_ =	sdelay $0x1  }
0x372: {  	s3 =	sadd.s32 s20, s24;
	[tilespmem:s8+$0x4670] =	vst v3  }
0x373: {  	[hbm4b:s3+s4] =	stream.linear.scatter [tilespmem:s6], [sflag:$0x6], $0x1000, $0x38;
	[tilespmem:$0x17900] =	vst v63  }
0x374: {  	s3 =	sadd.s32 s19, s28  }
0x375: {  	s8 =	sshrl.u32 s3, $0x3  }
0x376: {  	s16 =	simm.s32 $0x80;
	s19 =	rddreg [dreg:$0x3];
	s13 =	sadd.s32 s9, s8  }
0x377: {  	[tilespmem:s16], [sflag:$0x2] =	stream.linear.gather [hbm4b:s13+s4], $0x10, $0x38;
	[tilespmem:$0x17900] =	vst v63  }
0x378: {  	s3 =	sshll.u32 s3, $0x4;
	s8 =	sadd.s32 s12, s8;
	s16 =	simm.s32 $0x180  }
0x379: {  	[tilespmem:s16], [sflag:$0x2] =	stream.linear.gather [hbm4b:s8+s4], $0x10, $0x38;
	[tilespmem:$0x17900] =	vst v63  }
0x37a: {  	s20 =	simm.s32 $0xA00;
	s8 =	sadd.s32 s19, s3  }
0x37b: {  	[tilespmem:s20], [sflag:$0x2] =	stream.linear.gather [hbm4b:s8+s4], $0x800, $0x38;
	[tilespmem:$0x17900] =	vst v63  }
.Ltmp7:
0x37c: {  	_ = 	snop;
	(pc) =	sbr.rel .LBB2_2-.Ltmp7, $4  }
0x37d: {  	s22 =	simm.s32 $0x1A00;
	s21 =	sadd.s32 s10, s3  }
0x37e: {  	[tilespmem:s22], [sflag:$0x2] =	stream.linear.gather [hbm4b:s21+s4], $0x800, $0x38;
	[tilespmem:$0x17900] =	vst v63  }
0x37f: {  	s29 =	simm.s32 $0x2A00;
	s26 =	sadd.s32 $0x1, s26;
	s3 =	sadd.s32 s11, s3  }
0x380: {  	[tilespmem:s29], [sflag:$0x2] =	stream.linear.gather [hbm4b:s3+s4], $0x800, $0x38;
	[tilespmem:$0x17900] =	vst v63  }
.LBB2_12:
0x381: {  	_ =	sfence.sel $0x180000  }
0x382: {  	[bflag:$0x0] =	sbarrier.arrive $0xFFFF  }
0x383: {  	_ =	strace $0x90000047  }
0x384: {  	s0 =	stileid.u32;
	[bflag:$0x2] =	sbarrier.arrive $0xFFFF  }
0x385: {  	p0 =	sne.s32 s0, $0x0;
	s0 =	rddreg [dreg:$0x4]  }
0x386: {  	s0 =	sadd.s32 @!p0 $0x100000, s0  }
0x387: {  	[sflag:s0] =	ssyncadd.tile.s32 @!p0 $0x1;
	_ =	shalt  }
.Lfunc_end2:
_tile_overlayer_lowered:
.L_overlay_start_2:
0x388: {  	(tag) =	ssettag $0x2  }
0x389: {  	s0 =	rddreg [dreg:$0x0];
	s2 =	stileid.u32  }
0x38a: {  	s1 =	rddreg [dreg:$0x1];
	p0 =	sne.s32 s2, $0x0  }
0x38b: {  	s3 =	rddreg [dreg:$0x2];
	[bflag:$0x3] =	sbarrier.arrive $0xFFFF;
	s2 =	simm.s32 @!p0 $0x1C07  }
0x38c: {  	[timem:s3], [sflag:s2] =	dma.local @!p0 [hbm:s0], s1  }
0x38d: {  	s0 =	simm.s32 @!p0 $0x7  }
0x38e: {  	_ =	swait.ge @!p0 [sflag:s0], s1  }
0x38f: {  	s1 =	ssub.s32 @!p0 $0x0, s1;
	[sflag:s0] =	ssyncset.done @!p0 $0x0  }
0x390: {  	[sflag:s0] =	ssyncadd.s32 @!p0 s1  }
0x391: {  	[bflag:$0x3] =	sbarrier.arrive $0xFFFF  }
0x392: {  	_ =	shalt  }

</sc_bundles>
